<compile_context>
chip_gen: v7x
topology: tpu7x:2x2x1
jax: 0.10.2.dev20260603
libtpu: 0.0.44.dev20260713+nightly
codegen_flags: <defaults>
</compile_context>

<pallas_src>
import functools

import jax
import jax.numpy as jnp
from jax import lax
from jax.experimental import pallas as pl
from jax.experimental.pallas import tpu as pltpu
from jax.experimental.pallas import tpu_sc as plsc

T = 2048
D = 1024
E = 16
K = 2
FF = 512
TK = T * K

BT = 256
NB = 32
NP = NB * BT

BTR = 512
NTB = T // BTR
BTC = 256
NC, NS, L = 2, 16, 16
NW = NC * NS



def _router_body(x_ref, wr_ref, bias_ref, scores_ref, pos_ref, blk_ref,
                 nb_ref, carry_s, inds_s, rank_s):
    t = pl.program_id(0)

    @pl.when(t == 0)
    def _init():
        carry_s[...] = jnp.zeros_like(carry_s)

    @pl.when(t < NTB)
    def _route():
        xb = x_ref[...]
        logits = lax.dot_general(xb, wr_ref[...], (((1,), (1,)), ((), ())),
                                 preferred_element_type=jnp.float32)
        m = jnp.max(logits, axis=-1, keepdims=True)
        p = jnp.exp(logits - m)
        gates = p / jnp.sum(p, axis=-1, keepdims=True)
        g = gates + bias_ref[...]
        iota = lax.broadcasted_iota(jnp.int32, (BTR, E), 1)
        m1 = jnp.max(g, axis=-1, keepdims=True)
        i1 = jnp.min(jnp.where(g == m1, iota, E), axis=-1, keepdims=True)
        g2 = jnp.where(iota == i1, -1e30, g)
        m2 = jnp.max(g2, axis=-1, keepdims=True)
        i2 = jnp.min(jnp.where(g2 == m2, iota, E), axis=-1, keepdims=True)
        denom = m1 + m2 + 1e-20
        s1 = m1 / denom
        s2 = m2 / denom

        a1 = (iota == i1).astype(jnp.float32)
        a2 = (iota == i2).astype(jnp.float32)
        both = a1 + a2
        ri = lax.broadcasted_iota(jnp.int32, (BTR, BTR), 0)
        ci = lax.broadcasted_iota(jnp.int32, (BTR, BTR), 1)
        tril = (ri > ci).astype(jnp.float32)
        cum = lax.dot_general(tril, both, (((1,), (0,)), ((), ())),
                              preferred_element_type=jnp.float32)
        carry = carry_s[...]
        r0 = jnp.sum((cum + carry) * a1, axis=1, keepdims=True)
        r1 = jnp.sum((cum + carry) * a2, axis=1, keepdims=True)
        carry_s[...] = carry + jnp.sum(both, axis=0, keepdims=True)

        scores_ref[...] = jnp.concatenate([s1, s2], axis=1)
        row = pl.multiple_of(t * BTR, BTR)
        inds_s[pl.ds(row, BTR), :] = jnp.concatenate([i1, i2], axis=1)
        rank_s[pl.ds(row, BTR), :] = jnp.concatenate(
            [r0, r1], axis=1).astype(jnp.int32)

    @pl.when(t == NTB)
    def _finalize():
        cnt = carry_s[...].astype(jnp.int32)
        nbe = (cnt + (BT - 1)) // BT
        nbef = nbe.astype(jnp.float32)
        er = lax.broadcasted_iota(jnp.int32, (E, E), 0)
        ec = lax.broadcasted_iota(jnp.int32, (E, E), 1)
        triu = (er < ec).astype(jnp.float32)
        pblk = lax.dot_general(nbef, triu, (((1,), (0,)), ((), ())),
                               preferred_element_type=jnp.float32)
        pstart = pblk * BT

        inds = inds_s[...]
        rank = rank_s[...]
        iota_e = lax.broadcasted_iota(jnp.int32, (T, E), 1)
        iota_k = lax.broadcasted_iota(jnp.int32, (T, K), 1)
        i1 = jnp.sum(jnp.where(iota_k == 0, inds, 0), axis=1, keepdims=True)
        i2 = jnp.sum(jnp.where(iota_k == 1, inds, 0), axis=1, keepdims=True)
        r1 = jnp.sum(jnp.where(iota_k == 0, rank, 0), axis=1, keepdims=True)
        r2 = jnp.sum(jnp.where(iota_k == 1, rank, 0), axis=1, keepdims=True)
        pg1 = jnp.sum(jnp.where(i1 == iota_e, pstart, 0.0), axis=1,
                      keepdims=True)
        pg2 = jnp.sum(jnp.where(i2 == iota_e, pstart, 0.0), axis=1,
                      keepdims=True)
        pos0 = pg1.astype(jnp.int32) + r1
        pos1 = pg2.astype(jnp.int32) + r2
        pos_ref[...] = jnp.concatenate([pos0, pos1], axis=1)

        cb = pblk + nbef
        bf = lax.broadcasted_iota(jnp.int32, (NB, E), 0).astype(jnp.float32)
        blk = jnp.sum((cb <= bf).astype(jnp.int32), axis=1, keepdims=True)
        blk_ref[...] = jnp.minimum(blk, E - 1)
        nb_ref[...] = jnp.sum(nbe, axis=1, keepdims=True)


def _router_finalize(x, Wr, bias2):
    last = NTB - 1
    return pl.pallas_call(
        _router_body,
        grid=(NTB + 1,),
        in_specs=[
            pl.BlockSpec((BTR, D), lambda t: (jnp.minimum(t, last), 0)),
            pl.BlockSpec((E, D), lambda t: (0, 0)),
            pl.BlockSpec((1, E), lambda t: (0, 0)),
        ],
        out_specs=[
            pl.BlockSpec((BTR, K), lambda t: (jnp.minimum(t, last), 0)),
            pl.BlockSpec((T, K), lambda t: (0, 0)),
            pl.BlockSpec((NB, 1), lambda t: (0, 0)),
            pl.BlockSpec((1, 1), lambda t: (0, 0)),
        ],
        out_shape=[
            jax.ShapeDtypeStruct((T, K), jnp.float32),
            jax.ShapeDtypeStruct((T, K), jnp.int32),
            jax.ShapeDtypeStruct((NB, 1), jnp.int32),
            jax.ShapeDtypeStruct((1, 1), jnp.int32),
        ],
        scratch_shapes=[
            pltpu.VMEM((1, E), jnp.float32),
            pltpu.VMEM((T, K), jnp.int32),
            pltpu.VMEM((T, K), jnp.int32),
        ],
    )(x, Wr, bias2)



@functools.cache
def _make_sc_scatter_xs():
    per_w = T // NW
    mesh = plsc.VectorSubcoreMesh(core_axis_name="c", subcore_axis_name="s")

    @functools.partial(
        pl.kernel,
        mesh=mesh,
        out_type=jax.ShapeDtypeStruct((NP, D), jnp.float32),
        scratch_types=[
            pltpu.VMEM((K * per_w,), jnp.int32),
            pltpu.VMEM((per_w,), jnp.int32),
            pltpu.VMEM((per_w,), jnp.int32),
            pltpu.VMEM((per_w, D), jnp.float32),
            pltpu.SemaphoreType.DMA,
        ],
        compiler_params=pltpu.CompilerParams(needs_layout_passes=False),
    )
    def _scatter(pos_hbm, x_hbm, xs_hbm, idxall_v, idx0_v, idx1_v, rows_v,
                 sem):
        wid = lax.axis_index("s") * NC + lax.axis_index("c")
        base = wid * per_w
        pltpu.sync_copy(pos_hbm.at[pl.ds(base * K, per_w * K)], idxall_v)
        pltpu.sync_copy(x_hbm.at[pl.ds(base, per_w)], rows_v)
        iota = lax.broadcasted_iota(jnp.int32, (L,), 0)
        for c in range(per_w // L):
            lanes = iota * K + c * (L * K)
            idx0_v[pl.ds(c * L, L)] = plsc.load_gather(idxall_v, [lanes])
            idx1_v[pl.ds(c * L, L)] = plsc.load_gather(idxall_v, [lanes + 1])
        c0 = pltpu.async_copy(rows_v, xs_hbm.at[idx0_v], sem)
        c1 = pltpu.async_copy(rows_v, xs_hbm.at[idx1_v], sem)
        c0.wait()
        c1.wait()

    return _scatter



@functools.cache
def _make_sc_row_gather(nrows, ncols, chunk):
    per_w = nrows // NW
    nch = per_w // chunk
    mesh = plsc.VectorSubcoreMesh(core_axis_name="c", subcore_axis_name="s")

    @functools.partial(
        pl.kernel,
        mesh=mesh,
        out_type=jax.ShapeDtypeStruct((nrows, ncols), jnp.float32),
        scratch_types=[
            pltpu.VMEM((per_w,), jnp.int32),
            pltpu.VMEM((chunk, ncols), jnp.float32),
            pltpu.VMEM((chunk, ncols), jnp.float32),
            pltpu.SemaphoreType.DMA,
            pltpu.SemaphoreType.DMA,
        ],
        compiler_params=pltpu.CompilerParams(needs_layout_passes=False),
    )
    def _gather(idx_hbm, table_hbm, out_hbm, idx_v, buf0, buf1, sem_g, sem_w):
        wid = lax.axis_index("s") * NC + lax.axis_index("c")
        base = wid * per_w
        pltpu.sync_copy(idx_hbm.at[pl.ds(base, per_w)], idx_v)
        bufs = [buf0, buf1]
        g = [None] * nch
        w = [None] * nch
        g[0] = pltpu.async_copy(
            table_hbm.at[idx_v.at[pl.ds(0, chunk)]], bufs[0], sem_g)
        for c in range(nch):
            g[c].wait()
            if c + 1 < nch:
                if c >= 1:
                    w[c - 1].wait()
                g[c + 1] = pltpu.async_copy(
                    table_hbm.at[idx_v.at[pl.ds((c + 1) * chunk, chunk)]],
                    bufs[(c + 1) % 2], sem_g)
            w[c] = pltpu.async_copy(
                bufs[c % 2], out_hbm.at[pl.ds(base + c * chunk, chunk)], sem_w)
        if nch >= 2:
            w[nch - 2].wait()
        w[nch - 1].wait()

    return _gather



def _ffn_body(blk_ref, nb_ref, xs_ref, wg_ref, wu_ref, wd_ref, yp_ref):
    b = pl.program_id(0)

    @pl.when(b < nb_ref[0])
    def _():
        xb = xs_ref[...]
        hg = lax.dot_general(xb, wg_ref[0], (((1,), (1,)), ((), ())),
                             preferred_element_type=jnp.float32)
        hu = lax.dot_general(xb, wu_ref[0], (((1,), (1,)), ((), ())),
                             preferred_element_type=jnp.float32)
        h = hg * lax.logistic(hg) * hu
        yp_ref[...] = lax.dot_general(h, wd_ref[0], (((1,), (1,)), ((), ())),
                                      preferred_element_type=jnp.float32)


def _grouped_ffn(blk, nb, xs, Wg, Wu, Wd):
    grid_spec = pltpu.PrefetchScalarGridSpec(
        num_scalar_prefetch=2,
        grid=(NB,),
        in_specs=[
            pl.BlockSpec(
                (BT, D), lambda b, blk, nb: (jnp.minimum(b, nb[0] - 1), 0)),
            pl.BlockSpec((1, FF, D), lambda b, blk, nb: (blk[b], 0, 0)),
            pl.BlockSpec((1, FF, D), lambda b, blk, nb: (blk[b], 0, 0)),
            pl.BlockSpec((1, D, FF), lambda b, blk, nb: (blk[b], 0, 0)),
        ],
        out_specs=pl.BlockSpec(
            (BT, D), lambda b, blk, nb: (jnp.minimum(b, nb[0] - 1), 0)),
    )
    return pl.pallas_call(
        _ffn_body,
        grid_spec=grid_spec,
        out_shape=jax.ShapeDtypeStruct((NP, D), jnp.float32),
    )(blk, nb, xs, Wg, Wu, Wd)



def _combine_body(ypt_ref, scores_ref, y_ref):
    s = scores_ref[...]
    iota_k = lax.broadcasted_iota(jnp.int32, (BTC, K), 1)
    s0 = jnp.sum(jnp.where(iota_k == 0, s, 0.0), axis=1, keepdims=True)
    s1 = jnp.sum(jnp.where(iota_k == 1, s, 0.0), axis=1, keepdims=True)
    ri = lax.broadcasted_iota(jnp.int32, (BTC, K * BTC), 0)
    ci = lax.broadcasted_iota(jnp.int32, (BTC, K * BTC), 1)
    a = (jnp.where(ci == 2 * ri, s0, 0.0)
         + jnp.where(ci == 2 * ri + 1, s1, 0.0))
    y_ref[...] = lax.dot_general(a, ypt_ref[...], (((1,), (0,)), ((), ())),
                                 preferred_element_type=jnp.float32)


def _combine(ypt, scores):
    return pl.pallas_call(
        _combine_body,
        grid=(T // BTC,),
        in_specs=[
            pl.BlockSpec((K * BTC, D), lambda t: (t, 0)),
            pl.BlockSpec((BTC, K), lambda t: (t, 0)),
        ],
        out_specs=pl.BlockSpec((BTC, D), lambda t: (t, 0)),
        out_shape=jax.ShapeDtypeStruct((T, D), jnp.float32),
    )(ypt, scores)



def kernel(x, Wr, Wg, Wu, Wd, expert_bias):
    bias2 = expert_bias.reshape(1, E)
    scores, pos, blk, nb = _router_finalize(x, Wr, bias2)
    posflat = pos.reshape(TK)
    xs = _make_sc_scatter_xs()(posflat, x)
    yp = _grouped_ffn(blk.reshape(NB), nb.reshape(1), xs, Wg, Wu, Wd)
    ypt = _make_sc_row_gather(TK, D, 32)(posflat, yp)
    y = _combine(ypt, scores)
    return y

# --- scband reference (transcript-rebuilt; emitter-appended) ---
"""Pipeline reference for scband-lfm2-moe-sparse-moe-block-43963285242543 (READ-ONLY COPY).

The authoritative reference and input builder live on the scoring server;
editing this copy changes nothing except your own understanding.
"""

import jax, jax.numpy as jnp
import numpy as np

T = 2048   # tokens (batch=1 * seq_len=2048)
D = 1024   # hidden_size
E = 16     # num_experts
K = 2      # num_experts_per_tok
FF = 512   # moe_intermediate_size


def setup_inputs(seed: int = 0) -> dict:
    key = jax.random.key(seed)
    ks = jax.random.split(key, 6)
    sd = 1.0 / np.sqrt(D)
    sf = 1.0 / np.sqrt(FF)
    x = jax.random.normal(ks[0], (T, D), dtype=jnp.float32)
    Wr = jax.random.normal(ks[1], (E, D), dtype=jnp.float32) * sd          # router gate.weight [E, D]
    Wg = jax.random.normal(ks[2], (E, FF, D), dtype=jnp.float32) * sd      # per-expert gate_proj
    Wu = jax.random.normal(ks[3], (E, FF, D), dtype=jnp.float32) * sd      # per-expert up_proj
    Wd = jax.random.normal(ks[4], (E, D, FF), dtype=jnp.float32) * sf      # per-expert down_proj
    expert_bias = jnp.zeros((E,), dtype=jnp.float32)                        # nn.Parameter(zeros)
    return {"x": x, "Wr": Wr, "Wg": Wg, "Wu": Wu, "Wd": Wd, "expert_bias": expert_bias}


def reference(x, Wr, Wg, Wu, Wd, expert_bias):
    # router: gates = softmax(gate(x)) in float32
    gates = jax.nn.softmax((x @ Wr.T).astype(jnp.float32), axis=-1)
    # use_expert_bias=True
    gates = gates + expert_bias
    # top-k selection; scores = gather(gates, inds) == top_k values
    scores, inds = jax.lax.top_k(gates, K)
    # norm_topk_prob=True
    scores = scores / (jnp.sum(scores, axis=-1, keepdims=True) + 1e-20)
    scores = scores.astype(x.dtype)
    # SwitchGLU: per-expert down(silu(gate(x)) * up(x)); compute densely over
    # all experts then gather the selected experts per token (same math).
    hg = jnp.einsum('td,efd->tef', x, Wg)
    hu = jnp.einsum('td,efd->tef', x, Wu)
    h = jax.nn.silu(hg) * hu
    y_all = jnp.einsum('tef,edf->ted', h, Wd)      # [T, E, D]
    y_sel = jnp.take_along_axis(y_all, inds[:, :, None], axis=1)  # [T, K, D]
    y = (y_sel * scores[:, :, None]).sum(axis=1)   # [T, D]
    return y

if __name__ == "__main__":
    import jax
    _d = setup_inputs()
    print(jax.jit(kernel)(*tuple(_d.values())))

</pallas_src>

<mosaic_0001>
#map = affine_map<(d0, d1) -> (0)>
#map1 = affine_map<(d0, d1) -> (0, 0)>
module attributes {stable_mosaic.version = 14 : i64} {
  func.func @_gather(%arg0: i32, %arg1: i32, %arg2: memref<4096xi32, #tpu.memory_space<hbm>>, %arg3: memref<8192x1024xf32, #tpu.memory_space<hbm>>, %arg4: memref<4096x1024xf32, #tpu.memory_space<hbm>>, %arg5: memref<128xi32, #tpu.memory_space<vmem>>, %arg6: memref<32x1024xf32, #tpu.memory_space<vmem>>, %arg7: memref<32x1024xf32, #tpu.memory_space<vmem>>, %arg8: memref<!tpu.dma_semaphore, #tpu.memory_space<semaphore_mem>>, %arg9: memref<!tpu.dma_semaphore, #tpu.memory_space<semaphore_mem>>) attributes {dimension_semantics = [#tpu.dimension_semantics<core_parallel>, #tpu.dimension_semantics<subcore_parallel>], iteration_bounds = array<i64: 2, 16>, scalar_prefetch = 0 : i64, scratch_operands = 5 : i64, tpu.core_type = #tpu.core_type<sc_vector_subcore>, window_params = [{transform_indices = #map}, {transform_indices = #map1}, {transform_indices = #map1}]} {
    %mul3A = arith.constant 2 : i32
    %mul3A_0 = arith.muli %arg1, %mul3A : i32
    %add3A = arith.addi %mul3A_0, %arg0 : i32
    %mul3A_1 = arith.constant 128 : i32
    %mul3A_2 = arith.muli %add3A, %mul3A_1 : i32
    "tpu.region"() ({
      %run_scoped3A = tpu.sem_alloc : memref<!tpu.dma_semaphore, #tpu.memory_space<semaphore_mem>>
      %dma_start3A_81 = tpu.memref_slice %arg2[%mul3A_2] : memref<4096xi32, #tpu.memory_space<hbm>> -> memref<128xi32, #tpu.memory_space<hbm>>
      %dma_start3A_82 = tpu.memref_slice %arg2[%mul3A_2] : memref<4096xi32, #tpu.memory_space<hbm>> -> memref<128xi32, #tpu.memory_space<hbm>>
      tpu.enqueue_dma source(%dma_start3A_82 : memref<128xi32, #tpu.memory_space<hbm>>) target(%arg5 : memref<128xi32, #tpu.memory_space<vmem>>) target_semaphore(%run_scoped3A : memref<!tpu.dma_semaphore, #tpu.memory_space<semaphore_mem>>)
      %dma_wait3A_83 = tpu.memref_slice %arg2[%mul3A_2] : memref<4096xi32, #tpu.memory_space<hbm>> -> memref<128xi32, #tpu.memory_space<hbm>>
      %dma_wait3A_84 = tpu.memref_slice %arg2[%mul3A_2] : memref<4096xi32, #tpu.memory_space<hbm>> -> memref<128xi32, #tpu.memory_space<hbm>>
      tpu.wait_dma2 semaphore(%run_scoped3A : memref<!tpu.dma_semaphore, #tpu.memory_space<semaphore_mem>>) src(%dma_wait3A_84 : memref<128xi32, #tpu.memory_space<hbm>>) dst(%arg5 : memref<128xi32, #tpu.memory_space<vmem>>)
      tpu.yield
    }) : () -> ()
    %dma_start3A = arith.constant 0 : i32
    %dma_start3A_3 = tpu.memref_slice %arg5[%dma_start3A] : memref<128xi32, #tpu.memory_space<vmem>> -> memref<32xi32, #tpu.memory_space<vmem>>
    %dma_start3A_4 = arith.constant 0 : i32
    %dma_start3A_5 = arith.constant 0 : i32
    %dma_start3A_6 = tpu.memref_slice %arg3[%dma_start3A_4, %dma_start3A_5] : memref<8192x1024xf32, #tpu.memory_space<hbm>> -> memref<8192x1024xf32, #tpu.memory_space<hbm>>
    tpu.enqueue_indirect_dma source(%dma_start3A_6 : memref<8192x1024xf32, #tpu.memory_space<hbm>>) target(%arg6 : memref<32x1024xf32, #tpu.memory_space<vmem>>) offsets(%dma_start3A_3 : memref<32xi32, #tpu.memory_space<vmem>>) semaphore(%arg8 : memref<!tpu.dma_semaphore, #tpu.memory_space<semaphore_mem>>)
    %dma_wait3A = arith.constant 0 : i32
    %dma_wait3A_7 = tpu.memref_slice %arg5[%dma_wait3A] : memref<128xi32, #tpu.memory_space<vmem>> -> memref<32xi32, #tpu.memory_space<vmem>>
    %dma_wait3A_8 = arith.constant 0 : i32
    %dma_wait3A_9 = arith.constant 0 : i32
    %dma_wait3A_10 = tpu.memref_slice %arg3[%dma_wait3A_8, %dma_wait3A_9] : memref<8192x1024xf32, #tpu.memory_space<hbm>> -> memref<8192x1024xf32, #tpu.memory_space<hbm>>
    tpu.wait_indirect_dma semaphore(%arg8 : memref<!tpu.dma_semaphore, #tpu.memory_space<semaphore_mem>>) src(%dma_wait3A_10 : memref<8192x1024xf32, #tpu.memory_space<hbm>>) dst(%arg6 : memref<32x1024xf32, #tpu.memory_space<vmem>>)
    %dma_start3A_11 = arith.constant 32 : i32
    %dma_start3A_12 = tpu.memref_slice %arg5[%dma_start3A_11] : memref<128xi32, #tpu.memory_space<vmem>> -> memref<32xi32, #tpu.memory_space<vmem>>
    %dma_start3A_13 = arith.constant 0 : i32
    %dma_start3A_14 = arith.constant 0 : i32
    %dma_start3A_15 = tpu.memref_slice %arg3[%dma_start3A_13, %dma_start3A_14] : memref<8192x1024xf32, #tpu.memory_space<hbm>> -> memref<8192x1024xf32, #tpu.memory_space<hbm>>
    tpu.enqueue_indirect_dma source(%dma_start3A_15 : memref<8192x1024xf32, #tpu.memory_space<hbm>>) target(%arg7 : memref<32x1024xf32, #tpu.memory_space<vmem>>) offsets(%dma_start3A_12 : memref<32xi32, #tpu.memory_space<vmem>>) semaphore(%arg8 : memref<!tpu.dma_semaphore, #tpu.memory_space<semaphore_mem>>)
    %add3A_16 = arith.constant 0 : i32
    %add3A_17 = arith.addi %mul3A_2, %add3A_16 : i32
    %dma_start3A_18 = arith.constant 0 : i32
    %dma_start3A_19 = tpu.memref_slice %arg4[%add3A_17, %dma_start3A_18] : memref<4096x1024xf32, #tpu.memory_space<hbm>> -> memref<32x1024xf32, #tpu.memory_space<hbm>>
    %dma_start3A_20 = arith.constant 0 : i32
    %dma_start3A_21 = tpu.memref_slice %arg4[%add3A_17, %dma_start3A_20] : memref<4096x1024xf32, #tpu.memory_space<hbm>> -> memref<32x1024xf32, #tpu.memory_space<hbm>>
    tpu.enqueue_dma source(%arg6 : memref<32x1024xf32, #tpu.memory_space<vmem>>) target(%dma_start3A_21 : memref<32x1024xf32, #tpu.memory_space<hbm>>) target_semaphore(%arg9 : memref<!tpu.dma_semaphore, #tpu.memory_space<semaphore_mem>>)
    %dma_wait3A_22 = arith.constant 32 : i32
    %dma_wait3A_23 = tpu.memref_slice %arg5[%dma_wait3A_22] : memref<128xi32, #tpu.memory_space<vmem>> -> memref<32xi32, #tpu.memory_space<vmem>>
    %dma_wait3A_24 = arith.constant 0 : i32
    %dma_wait3A_25 = arith.constant 0 : i32
    %dma_wait3A_26 = tpu.memref_slice %arg3[%dma_wait3A_24, %dma_wait3A_25] : memref<8192x1024xf32, #tpu.memory_space<hbm>> -> memref<8192x1024xf32, #tpu.memory_space<hbm>>
    tpu.wait_indirect_dma semaphore(%arg8 : memref<!tpu.dma_semaphore, #tpu.memory_space<semaphore_mem>>) src(%dma_wait3A_26 : memref<8192x1024xf32, #tpu.memory_space<hbm>>) dst(%arg7 : memref<32x1024xf32, #tpu.memory_space<vmem>>)
    %dma_wait3A_27 = arith.constant 0 : i32
    %dma_wait3A_28 = tpu.memref_slice %arg4[%add3A_17, %dma_wait3A_27] : memref<4096x1024xf32, #tpu.memory_space<hbm>> -> memref<32x1024xf32, #tpu.memory_space<hbm>>
    %dma_wait3A_29 = arith.constant 0 : i32
    %dma_wait3A_30 = tpu.memref_slice %arg4[%add3A_17, %dma_wait3A_29] : memref<4096x1024xf32, #tpu.memory_space<hbm>> -> memref<32x1024xf32, #tpu.memory_space<hbm>>
    tpu.wait_dma2 semaphore(%arg9 : memref<!tpu.dma_semaphore, #tpu.memory_space<semaphore_mem>>) src(%arg6 : memref<32x1024xf32, #tpu.memory_space<vmem>>) dst(%dma_wait3A_30 : memref<32x1024xf32, #tpu.memory_space<hbm>>)
    %dma_start3A_31 = arith.constant 64 : i32
    %dma_start3A_32 = tpu.memref_slice %arg5[%dma_start3A_31] : memref<128xi32, #tpu.memory_space<vmem>> -> memref<32xi32, #tpu.memory_space<vmem>>
    %dma_start3A_33 = arith.constant 0 : i32
    %dma_start3A_34 = arith.constant 0 : i32
    %dma_start3A_35 = tpu.memref_slice %arg3[%dma_start3A_33, %dma_start3A_34] : memref<8192x1024xf32, #tpu.memory_space<hbm>> -> memref<8192x1024xf32, #tpu.memory_space<hbm>>
    tpu.enqueue_indirect_dma source(%dma_start3A_35 : memref<8192x1024xf32, #tpu.memory_space<hbm>>) target(%arg6 : memref<32x1024xf32, #tpu.memory_space<vmem>>) offsets(%dma_start3A_32 : memref<32xi32, #tpu.memory_space<vmem>>) semaphore(%arg8 : memref<!tpu.dma_semaphore, #tpu.memory_space<semaphore_mem>>)
    %add3A_36 = arith.constant 32 : i32
    %add3A_37 = arith.addi %mul3A_2, %add3A_36 : i32
    %dma_start3A_38 = arith.constant 0 : i32
    %dma_start3A_39 = tpu.memref_slice %arg4[%add3A_37, %dma_start3A_38] : memref<4096x1024xf32, #tpu.memory_space<hbm>> -> memref<32x1024xf32, #tpu.memory_space<hbm>>
    %dma_start3A_40 = arith.constant 0 : i32
    %dma_start3A_41 = tpu.memref_slice %arg4[%add3A_37, %dma_start3A_40] : memref<4096x1024xf32, #tpu.memory_space<hbm>> -> memref<32x1024xf32, #tpu.memory_space<hbm>>
    tpu.enqueue_dma source(%arg7 : memref<32x1024xf32, #tpu.memory_space<vmem>>) target(%dma_start3A_41 : memref<32x1024xf32, #tpu.memory_space<hbm>>) target_semaphore(%arg9 : memref<!tpu.dma_semaphore, #tpu.memory_space<semaphore_mem>>)
    %dma_wait3A_42 = arith.constant 64 : i32
    %dma_wait3A_43 = tpu.memref_slice %arg5[%dma_wait3A_42] : memref<128xi32, #tpu.memory_space<vmem>> -> memref<32xi32, #tpu.memory_space<vmem>>
    %dma_wait3A_44 = arith.constant 0 : i32
    %dma_wait3A_45 = arith.constant 0 : i32
    %dma_wait3A_46 = tpu.memref_slice %arg3[%dma_wait3A_44, %dma_wait3A_45] : memref<8192x1024xf32, #tpu.memory_space<hbm>> -> memref<8192x1024xf32, #tpu.memory_space<hbm>>
    tpu.wait_indirect_dma semaphore(%arg8 : memref<!tpu.dma_semaphore, #tpu.memory_space<semaphore_mem>>) src(%dma_wait3A_46 : memref<8192x1024xf32, #tpu.memory_space<hbm>>) dst(%arg6 : memref<32x1024xf32, #tpu.memory_space<vmem>>)
    %dma_wait3A_47 = arith.constant 0 : i32
    %dma_wait3A_48 = tpu.memref_slice %arg4[%add3A_37, %dma_wait3A_47] : memref<4096x1024xf32, #tpu.memory_space<hbm>> -> memref<32x1024xf32, #tpu.memory_space<hbm>>
    %dma_wait3A_49 = arith.constant 0 : i32
    %dma_wait3A_50 = tpu.memref_slice %arg4[%add3A_37, %dma_wait3A_49] : memref<4096x1024xf32, #tpu.memory_space<hbm>> -> memref<32x1024xf32, #tpu.memory_space<hbm>>
    tpu.wait_dma2 semaphore(%arg9 : memref<!tpu.dma_semaphore, #tpu.memory_space<semaphore_mem>>) src(%arg7 : memref<32x1024xf32, #tpu.memory_space<vmem>>) dst(%dma_wait3A_50 : memref<32x1024xf32, #tpu.memory_space<hbm>>)
    %dma_start3A_51 = arith.constant 96 : i32
    %dma_start3A_52 = tpu.memref_slice %arg5[%dma_start3A_51] : memref<128xi32, #tpu.memory_space<vmem>> -> memref<32xi32, #tpu.memory_space<vmem>>
    %dma_start3A_53 = arith.constant 0 : i32
    %dma_start3A_54 = arith.constant 0 : i32
    %dma_start3A_55 = tpu.memref_slice %arg3[%dma_start3A_53, %dma_start3A_54] : memref<8192x1024xf32, #tpu.memory_space<hbm>> -> memref<8192x1024xf32, #tpu.memory_space<hbm>>
    tpu.enqueue_indirect_dma source(%dma_start3A_55 : memref<8192x1024xf32, #tpu.memory_space<hbm>>) target(%arg7 : memref<32x1024xf32, #tpu.memory_space<vmem>>) offsets(%dma_start3A_52 : memref<32xi32, #tpu.memory_space<vmem>>) semaphore(%arg8 : memref<!tpu.dma_semaphore, #tpu.memory_space<semaphore_mem>>)
    %add3A_56 = arith.constant 64 : i32
    %add3A_57 = arith.addi %mul3A_2, %add3A_56 : i32
    %dma_start3A_58 = arith.constant 0 : i32
    %dma_start3A_59 = tpu.memref_slice %arg4[%add3A_57, %dma_start3A_58] : memref<4096x1024xf32, #tpu.memory_space<hbm>> -> memref<32x1024xf32, #tpu.memory_space<hbm>>
    %dma_start3A_60 = arith.constant 0 : i32
    %dma_start3A_61 = tpu.memref_slice %arg4[%add3A_57, %dma_start3A_60] : memref<4096x1024xf32, #tpu.memory_space<hbm>> -> memref<32x1024xf32, #tpu.memory_space<hbm>>
    tpu.enqueue_dma source(%arg6 : memref<32x1024xf32, #tpu.memory_space<vmem>>) target(%dma_start3A_61 : memref<32x1024xf32, #tpu.memory_space<hbm>>) target_semaphore(%arg9 : memref<!tpu.dma_semaphore, #tpu.memory_space<semaphore_mem>>)
    %dma_wait3A_62 = arith.constant 96 : i32
    %dma_wait3A_63 = tpu.memref_slice %arg5[%dma_wait3A_62] : memref<128xi32, #tpu.memory_space<vmem>> -> memref<32xi32, #tpu.memory_space<vmem>>
    %dma_wait3A_64 = arith.constant 0 : i32
    %dma_wait3A_65 = arith.constant 0 : i32
    %dma_wait3A_66 = tpu.memref_slice %arg3[%dma_wait3A_64, %dma_wait3A_65] : memref<8192x1024xf32, #tpu.memory_space<hbm>> -> memref<8192x1024xf32, #tpu.memory_space<hbm>>
    tpu.wait_indirect_dma semaphore(%arg8 : memref<!tpu.dma_semaphore, #tpu.memory_space<semaphore_mem>>) src(%dma_wait3A_66 : memref<8192x1024xf32, #tpu.memory_space<hbm>>) dst(%arg7 : memref<32x1024xf32, #tpu.memory_space<vmem>>)
    %add3A_67 = arith.constant 96 : i32
    %add3A_68 = arith.addi %mul3A_2, %add3A_67 : i32
    %dma_start3A_69 = arith.constant 0 : i32
    %dma_start3A_70 = tpu.memref_slice %arg4[%add3A_68, %dma_start3A_69] : memref<4096x1024xf32, #tpu.memory_space<hbm>> -> memref<32x1024xf32, #tpu.memory_space<hbm>>
    %dma_start3A_71 = arith.constant 0 : i32
    %dma_start3A_72 = tpu.memref_slice %arg4[%add3A_68, %dma_start3A_71] : memref<4096x1024xf32, #tpu.memory_space<hbm>> -> memref<32x1024xf32, #tpu.memory_space<hbm>>
    tpu.enqueue_dma source(%arg7 : memref<32x1024xf32, #tpu.memory_space<vmem>>) target(%dma_start3A_72 : memref<32x1024xf32, #tpu.memory_space<hbm>>) target_semaphore(%arg9 : memref<!tpu.dma_semaphore, #tpu.memory_space<semaphore_mem>>)
    %dma_wait3A_73 = arith.constant 0 : i32
    %dma_wait3A_74 = tpu.memref_slice %arg4[%add3A_57, %dma_wait3A_73] : memref<4096x1024xf32, #tpu.memory_space<hbm>> -> memref<32x1024xf32, #tpu.memory_space<hbm>>
    %dma_wait3A_75 = arith.constant 0 : i32
    %dma_wait3A_76 = tpu.memref_slice %arg4[%add3A_57, %dma_wait3A_75] : memref<4096x1024xf32, #tpu.memory_space<hbm>> -> memref<32x1024xf32, #tpu.memory_space<hbm>>
    tpu.wait_dma2 semaphore(%arg9 : memref<!tpu.dma_semaphore, #tpu.memory_space<semaphore_mem>>) src(%arg6 : memref<32x1024xf32, #tpu.memory_space<vmem>>) dst(%dma_wait3A_76 : memref<32x1024xf32, #tpu.memory_space<hbm>>)
    %dma_wait3A_77 = arith.constant 0 : i32
    %dma_wait3A_78 = tpu.memref_slice %arg4[%add3A_68, %dma_wait3A_77] : memref<4096x1024xf32, #tpu.memory_space<hbm>> -> memref<32x1024xf32, #tpu.memory_space<hbm>>
    %dma_wait3A_79 = arith.constant 0 : i32
    %dma_wait3A_80 = tpu.memref_slice %arg4[%add3A_68, %dma_wait3A_79] : memref<4096x1024xf32, #tpu.memory_space<hbm>> -> memref<32x1024xf32, #tpu.memory_space<hbm>>
    tpu.wait_dma2 semaphore(%arg9 : memref<!tpu.dma_semaphore, #tpu.memory_space<semaphore_mem>>) src(%arg7 : memref<32x1024xf32, #tpu.memory_space<vmem>>) dst(%dma_wait3A_80 : memref<32x1024xf32, #tpu.memory_space<hbm>>)
    return
  }
}

#map = affine_map<(d0, d1) -> (0)>
#map1 = affine_map<(d0, d1) -> (0, 0)>
module attributes {stable_mosaic.version = 14 : i64} {
  func.func @_scatter(%arg0: i32, %arg1: i32, %arg2: memref<4096xi32, #tpu.memory_space<hbm>>, %arg3: memref<2048x1024xf32, #tpu.memory_space<hbm>>, %arg4: memref<8192x1024xf32, #tpu.memory_space<hbm>>, %arg5: memref<128xi32, #tpu.memory_space<vmem>>, %arg6: memref<64xi32, #tpu.memory_space<vmem>>, %arg7: memref<64xi32, #tpu.memory_space<vmem>>, %arg8: memref<64x1024xf32, #tpu.memory_space<vmem>>, %arg9: memref<!tpu.dma_semaphore, #tpu.memory_space<semaphore_mem>>) attributes {dimension_semantics = [#tpu.dimension_semantics<core_parallel>, #tpu.dimension_semantics<subcore_parallel>], iteration_bounds = array<i64: 2, 16>, scalar_prefetch = 0 : i64, scratch_operands = 5 : i64, tpu.core_type = #tpu.core_type<sc_vector_subcore>, window_params = [{transform_indices = #map}, {transform_indices = #map1}, {transform_indices = #map1}]} {
    %mul3A = arith.constant 2 : i32
    %mul3A_0 = arith.muli %arg1, %mul3A : i32
    %add3A = arith.addi %mul3A_0, %arg0 : i32
    %mul3A_1 = arith.constant 64 : i32
    %mul3A_2 = arith.muli %add3A, %mul3A_1 : i32
    %mul3A_3 = arith.constant 2 : i32
    %mul3A_4 = arith.muli %mul3A_2, %mul3A_3 : i32
    "tpu.region"() ({
      %run_scoped3A = tpu.sem_alloc : memref<!tpu.dma_semaphore, #tpu.memory_space<semaphore_mem>>
      %dma_start3A_73 = tpu.memref_slice %arg2[%mul3A_4] : memref<4096xi32, #tpu.memory_space<hbm>> -> memref<128xi32, #tpu.memory_space<hbm>>
      %dma_start3A_74 = tpu.memref_slice %arg2[%mul3A_4] : memref<4096xi32, #tpu.memory_space<hbm>> -> memref<128xi32, #tpu.memory_space<hbm>>
      tpu.enqueue_dma source(%dma_start3A_74 : memref<128xi32, #tpu.memory_space<hbm>>) target(%arg5 : memref<128xi32, #tpu.memory_space<vmem>>) target_semaphore(%run_scoped3A : memref<!tpu.dma_semaphore, #tpu.memory_space<semaphore_mem>>)
      %dma_wait3A_75 = tpu.memref_slice %arg2[%mul3A_4] : memref<4096xi32, #tpu.memory_space<hbm>> -> memref<128xi32, #tpu.memory_space<hbm>>
      %dma_wait3A_76 = tpu.memref_slice %arg2[%mul3A_4] : memref<4096xi32, #tpu.memory_space<hbm>> -> memref<128xi32, #tpu.memory_space<hbm>>
      tpu.wait_dma2 semaphore(%run_scoped3A : memref<!tpu.dma_semaphore, #tpu.memory_space<semaphore_mem>>) src(%dma_wait3A_76 : memref<128xi32, #tpu.memory_space<hbm>>) dst(%arg5 : memref<128xi32, #tpu.memory_space<vmem>>)
      tpu.yield
    }) : () -> ()
    "tpu.region"() ({
      %run_scoped3A = tpu.sem_alloc : memref<!tpu.dma_semaphore, #tpu.memory_space<semaphore_mem>>
      %dma_start3A_73 = arith.constant 0 : i32
      %dma_start3A_74 = tpu.memref_slice %arg3[%mul3A_2, %dma_start3A_73] : memref<2048x1024xf32, #tpu.memory_space<hbm>> -> memref<64x1024xf32, #tpu.memory_space<hbm>>
      %dma_start3A_75 = arith.constant 0 : i32
      %dma_start3A_76 = tpu.memref_slice %arg3[%mul3A_2, %dma_start3A_75] : memref<2048x1024xf32, #tpu.memory_space<hbm>> -> memref<64x1024xf32, #tpu.memory_space<hbm>>
      tpu.enqueue_dma source(%dma_start3A_76 : memref<64x1024xf32, #tpu.memory_space<hbm>>) target(%arg8 : memref<64x1024xf32, #tpu.memory_space<vmem>>) target_semaphore(%run_scoped3A : memref<!tpu.dma_semaphore, #tpu.memory_space<semaphore_mem>>)
      %dma_wait3A_77 = arith.constant 0 : i32
      %dma_wait3A_78 = tpu.memref_slice %arg3[%mul3A_2, %dma_wait3A_77] : memref<2048x1024xf32, #tpu.memory_space<hbm>> -> memref<64x1024xf32, #tpu.memory_space<hbm>>
      %dma_wait3A_79 = arith.constant 0 : i32
      %dma_wait3A_80 = tpu.memref_slice %arg3[%mul3A_2, %dma_wait3A_79] : memref<2048x1024xf32, #tpu.memory_space<hbm>> -> memref<64x1024xf32, #tpu.memory_space<hbm>>
      tpu.wait_dma2 semaphore(%run_scoped3A : memref<!tpu.dma_semaphore, #tpu.memory_space<semaphore_mem>>) src(%dma_wait3A_80 : memref<64x1024xf32, #tpu.memory_space<hbm>>) dst(%arg8 : memref<64x1024xf32, #tpu.memory_space<vmem>>)
      tpu.yield
    }) : () -> ()
    %iota3A = tpu.iota {dimensions = array<i32: 0>} : vector<16xi32>
    %mul3A_5 = arith.constant 2 : i32
    %mul3A_6 = vector.broadcast %mul3A_5 : i32 to vector<16xi32>
    %mul3A_7 = arith.muli %iota3A, %mul3A_6 : vector<16xi32>
    %add3A_8 = arith.constant 0 : i32
    %add3A_9 = vector.broadcast %add3A_8 : i32 to vector<16xi32>
    %add3A_10 = arith.addi %mul3A_7, %add3A_9 : vector<16xi32>
    %gather3A = tpu.vector_load_idx %arg5[%add3A_10] : memref<128xi32, #tpu.memory_space<vmem>>[vector<16xi32>], vector<16xi32>,
    %swap3A = arith.constant 0 : index
    %swap3A_11 = tpu.vector_load %arg6[%swap3A] {strides = array<i32>} : memref<64xi32, #tpu.memory_space<vmem>>, vector<16xi32>,
    tpu.vector_store %arg6[%swap3A], %gather3A {strides = array<i32>} : memref<64xi32, #tpu.memory_space<vmem>>, vector<16xi32>,
    %add3A_12 = arith.constant 1 : i32
    %add3A_13 = vector.broadcast %add3A_12 : i32 to vector<16xi32>
    %add3A_14 = arith.addi %add3A_10, %add3A_13 : vector<16xi32>
    %gather3A_15 = tpu.vector_load_idx %arg5[%add3A_14] : memref<128xi32, #tpu.memory_space<vmem>>[vector<16xi32>], vector<16xi32>,
    %swap3A_16 = arith.constant 0 : index
    %swap3A_17 = tpu.vector_load %arg7[%swap3A_16] {strides = array<i32>} : memref<64xi32, #tpu.memory_space<vmem>>, vector<16xi32>,
    tpu.vector_store %arg7[%swap3A_16], %gather3A_15 {strides = array<i32>} : memref<64xi32, #tpu.memory_space<vmem>>, vector<16xi32>,
    %mul3A_18 = arith.constant 2 : i32
    %mul3A_19 = vector.broadcast %mul3A_18 : i32 to vector<16xi32>
    %mul3A_20 = arith.muli %iota3A, %mul3A_19 : vector<16xi32>
    %add3A_21 = arith.constant 32 : i32
    %add3A_22 = vector.broadcast %add3A_21 : i32 to vector<16xi32>
    %add3A_23 = arith.addi %mul3A_20, %add3A_22 : vector<16xi32>
    %gather3A_24 = tpu.vector_load_idx %arg5[%add3A_23] : memref<128xi32, #tpu.memory_space<vmem>>[vector<16xi32>], vector<16xi32>,
    %swap3A_25 = arith.constant 16 : index
    %swap3A_26 = tpu.vector_load %arg6[%swap3A_25] {strides = array<i32>} : memref<64xi32, #tpu.memory_space<vmem>>, vector<16xi32>,
    tpu.vector_store %arg6[%swap3A_25], %gather3A_24 {strides = array<i32>} : memref<64xi32, #tpu.memory_space<vmem>>, vector<16xi32>,
    %add3A_27 = arith.constant 1 : i32
    %add3A_28 = vector.broadcast %add3A_27 : i32 to vector<16xi32>
    %add3A_29 = arith.addi %add3A_23, %add3A_28 : vector<16xi32>
    %gather3A_30 = tpu.vector_load_idx %arg5[%add3A_29] : memref<128xi32, #tpu.memory_space<vmem>>[vector<16xi32>], vector<16xi32>,
    %swap3A_31 = arith.constant 16 : index
    %swap3A_32 = tpu.vector_load %arg7[%swap3A_31] {strides = array<i32>} : memref<64xi32, #tpu.memory_space<vmem>>, vector<16xi32>,
    tpu.vector_store %arg7[%swap3A_31], %gather3A_30 {strides = array<i32>} : memref<64xi32, #tpu.memory_space<vmem>>, vector<16xi32>,
    %mul3A_33 = arith.constant 2 : i32
    %mul3A_34 = vector.broadcast %mul3A_33 : i32 to vector<16xi32>
    %mul3A_35 = arith.muli %iota3A, %mul3A_34 : vector<16xi32>
    %add3A_36 = arith.constant 64 : i32
    %add3A_37 = vector.broadcast %add3A_36 : i32 to vector<16xi32>
    %add3A_38 = arith.addi %mul3A_35, %add3A_37 : vector<16xi32>
    %gather3A_39 = tpu.vector_load_idx %arg5[%add3A_38] : memref<128xi32, #tpu.memory_space<vmem>>[vector<16xi32>], vector<16xi32>,
    %swap3A_40 = arith.constant 32 : index
    %swap3A_41 = tpu.vector_load %arg6[%swap3A_40] {strides = array<i32>} : memref<64xi32, #tpu.memory_space<vmem>>, vector<16xi32>,
    tpu.vector_store %arg6[%swap3A_40], %gather3A_39 {strides = array<i32>} : memref<64xi32, #tpu.memory_space<vmem>>, vector<16xi32>,
    %add3A_42 = arith.constant 1 : i32
    %add3A_43 = vector.broadcast %add3A_42 : i32 to vector<16xi32>
    %add3A_44 = arith.addi %add3A_38, %add3A_43 : vector<16xi32>
    %gather3A_45 = tpu.vector_load_idx %arg5[%add3A_44] : memref<128xi32, #tpu.memory_space<vmem>>[vector<16xi32>], vector<16xi32>,
    %swap3A_46 = arith.constant 32 : index
    %swap3A_47 = tpu.vector_load %arg7[%swap3A_46] {strides = array<i32>} : memref<64xi32, #tpu.memory_space<vmem>>, vector<16xi32>,
    tpu.vector_store %arg7[%swap3A_46], %gather3A_45 {strides = array<i32>} : memref<64xi32, #tpu.memory_space<vmem>>, vector<16xi32>,
    %mul3A_48 = arith.constant 2 : i32
    %mul3A_49 = vector.broadcast %mul3A_48 : i32 to vector<16xi32>
    %mul3A_50 = arith.muli %iota3A, %mul3A_49 : vector<16xi32>
    %add3A_51 = arith.constant 96 : i32
    %add3A_52 = vector.broadcast %add3A_51 : i32 to vector<16xi32>
    %add3A_53 = arith.addi %mul3A_50, %add3A_52 : vector<16xi32>
    %gather3A_54 = tpu.vector_load_idx %arg5[%add3A_53] : memref<128xi32, #tpu.memory_space<vmem>>[vector<16xi32>], vector<16xi32>,
    %swap3A_55 = arith.constant 48 : index
    %swap3A_56 = tpu.vector_load %arg6[%swap3A_55] {strides = array<i32>} : memref<64xi32, #tpu.memory_space<vmem>>, vector<16xi32>,
    tpu.vector_store %arg6[%swap3A_55], %gather3A_54 {strides = array<i32>} : memref<64xi32, #tpu.memory_space<vmem>>, vector<16xi32>,
    %add3A_57 = arith.constant 1 : i32
    %add3A_58 = vector.broadcast %add3A_57 : i32 to vector<16xi32>
    %add3A_59 = arith.addi %add3A_53, %add3A_58 : vector<16xi32>
    %gather3A_60 = tpu.vector_load_idx %arg5[%add3A_59] : memref<128xi32, #tpu.memory_space<vmem>>[vector<16xi32>], vector<16xi32>,
    %swap3A_61 = arith.constant 48 : index
    %swap3A_62 = tpu.vector_load %arg7[%swap3A_61] {strides = array<i32>} : memref<64xi32, #tpu.memory_space<vmem>>, vector<16xi32>,
    tpu.vector_store %arg7[%swap3A_61], %gather3A_60 {strides = array<i32>} : memref<64xi32, #tpu.memory_space<vmem>>, vector<16xi32>,
    %dma_start3A = arith.constant 0 : i32
    %dma_start3A_63 = arith.constant 0 : i32
    %dma_start3A_64 = tpu.memref_slice %arg4[%dma_start3A, %dma_start3A_63] : memref<8192x1024xf32, #tpu.memory_space<hbm>> -> memref<8192x1024xf32, #tpu.memory_space<hbm>>
    tpu.enqueue_indirect_dma source(%arg8 : memref<64x1024xf32, #tpu.memory_space<vmem>>) target(%dma_start3A_64 : memref<8192x1024xf32, #tpu.memory_space<hbm>>) offsets(%arg6 : memref<64xi32, #tpu.memory_space<vmem>>) semaphore(%arg9 : memref<!tpu.dma_semaphore, #tpu.memory_space<semaphore_mem>>)
    %dma_start3A_65 = arith.constant 0 : i32
    %dma_start3A_66 = arith.constant 0 : i32
    %dma_start3A_67 = tpu.memref_slice %arg4[%dma_start3A_65, %dma_start3A_66] : memref<8192x1024xf32, #tpu.memory_space<hbm>> -> memref<8192x1024xf32, #tpu.memory_space<hbm>>
    tpu.enqueue_indirect_dma source(%arg8 : memref<64x1024xf32, #tpu.memory_space<vmem>>) target(%dma_start3A_67 : memref<8192x1024xf32, #tpu.memory_space<hbm>>) offsets(%arg7 : memref<64xi32, #tpu.memory_space<vmem>>) semaphore(%arg9 : memref<!tpu.dma_semaphore, #tpu.memory_space<semaphore_mem>>)
    %dma_wait3A = arith.constant 0 : i32
    %dma_wait3A_68 = arith.constant 0 : i32
    %dma_wait3A_69 = tpu.memref_slice %arg4[%dma_wait3A, %dma_wait3A_68] : memref<8192x1024xf32, #tpu.memory_space<hbm>> -> memref<8192x1024xf32, #tpu.memory_space<hbm>>
    tpu.wait_indirect_dma semaphore(%arg9 : memref<!tpu.dma_semaphore, #tpu.memory_space<semaphore_mem>>) src(%arg8 : memref<64x1024xf32, #tpu.memory_space<vmem>>) dst(%dma_wait3A_69 : memref<8192x1024xf32, #tpu.memory_space<hbm>>)
    %dma_wait3A_70 = arith.constant 0 : i32
    %dma_wait3A_71 = arith.constant 0 : i32
    %dma_wait3A_72 = tpu.memref_slice %arg4[%dma_wait3A_70, %dma_wait3A_71] : memref<8192x1024xf32, #tpu.memory_space<hbm>> -> memref<8192x1024xf32, #tpu.memory_space<hbm>>
    tpu.wait_indirect_dma semaphore(%arg9 : memref<!tpu.dma_semaphore, #tpu.memory_space<semaphore_mem>>) src(%arg8 : memref<64x1024xf32, #tpu.memory_space<vmem>>) dst(%dma_wait3A_72 : memref<8192x1024xf32, #tpu.memory_space<hbm>>)
    return
  }
}

module attributes {stable_mosaic.version = 14 : i64} {
  func.func @_ffn_body(%arg0: i32, %arg1: memref<32xi32, #tpu.memory_space<smem>>, %arg2: memref<1xi32, #tpu.memory_space<smem>>, %arg3: memref<256x1024xf32, #tpu.memory_space<vmem>>, %arg4: memref<1x512x1024xf32, #tpu.memory_space<vmem>>, %arg5: memref<1x512x1024xf32, #tpu.memory_space<vmem>>, %arg6: memref<1x1024x512xf32, #tpu.memory_space<vmem>>, %arg7: memref<256x1024xf32, #tpu.memory_space<vmem>>) attributes {dimension_semantics = [#tpu.dimension_semantics<arbitrary>], iteration_bounds = array<i64: 32>, scalar_prefetch = 2 : i64, scratch_operands = 0 : i64, tpu.core_type = #tpu.core_type<tc>, window_params = [{transform_indices = @transform_0, window_bounds = array<i64: 256, 1024>}, {transform_indices = @transform_1, window_bounds = array<i64: 1, 512, 1024>}, {transform_indices = @transform_2, window_bounds = array<i64: 1, 512, 1024>}, {transform_indices = @transform_3, window_bounds = array<i64: 1, 1024, 512>}, {transform_indices = @transform_4, window_bounds = array<i64: 256, 1024>}]} {
    %get3A = arith.constant 0 : index
    %get3A_0 = memref.load %arg2[%get3A] : memref<1xi32, #tpu.memory_space<smem>>
    %lt3A = arith.cmpi slt, %arg0, %get3A_0 : i32
    %convert_element_type3A = arith.extui %lt3A : i1 to i32
    %cond3A = arith.constant 0 : i32
    %cond3A_1 = arith.cmpi ne, %convert_element_type3A, %cond3A : i32
    scf.if %cond3A_1 {
      %get3A_2 = arith.constant 0 : index
      %get3A_3 = arith.constant 0 : index
      %get3A_4 = vector.load %arg3[%get3A_2, %get3A_3] : memref<256x1024xf32, #tpu.memory_space<vmem>>, vector<256x1024xf32>
      %get3A_5 = arith.constant 0 : index
      %get3A_6 = arith.constant 0 : index
      %get3A_7 = arith.constant 0 : index
      %get3A_8 = vector.load %arg4[%get3A_5, %get3A_6, %get3A_7] : memref<1x512x1024xf32, #tpu.memory_space<vmem>>, vector<1x512x1024xf32>
      %get3A_9 = vector.shape_cast %get3A_8 : vector<1x512x1024xf32> to vector<512x1024xf32>
      %dot_general3A = arith.constant dense<0.000000e+00> : vector<256x512xf32>
      %dot_general3A_10 = tpu.matmul %get3A_4, %get3A_9, %dot_general3A {dimension_numbers = #tpu.dot_dimension_numbers<[1], [1], [0], [0], [0, 0, 1, 0], [], []>, transpose_lhs_hint = false} : vector<256x1024xf32>, vector<512x1024xf32>, vector<256x512xf32> -> vector<256x512xf32>
      %get3A_11 = arith.constant 0 : index
      %get3A_12 = arith.constant 0 : index
      %get3A_13 = arith.constant 0 : index
      %get3A_14 = vector.load %arg5[%get3A_11, %get3A_12, %get3A_13] : memref<1x512x1024xf32, #tpu.memory_space<vmem>>, vector<1x512x1024xf32>
      %get3A_15 = vector.shape_cast %get3A_14 : vector<1x512x1024xf32> to vector<512x1024xf32>
      %dot_general3A_16 = arith.constant dense<0.000000e+00> : vector<256x512xf32>
      %dot_general3A_17 = tpu.matmul %get3A_4, %get3A_15, %dot_general3A_16 {dimension_numbers = #tpu.dot_dimension_numbers<[1], [1], [0], [0], [0, 0, 1, 0], [], []>, transpose_lhs_hint = false} : vector<256x1024xf32>, vector<512x1024xf32>, vector<256x512xf32> -> vector<256x512xf32>
      %logistic3A = arith.negf %dot_general3A_10 : vector<256x512xf32>
      %logistic3A_18 = math.exp %logistic3A : vector<256x512xf32>
      %logistic3A_19 = arith.constant 1.000000e+00 : f32
      %logistic3A_20 = vector.broadcast %logistic3A_19 : f32 to vector<256x512xf32>
      %logistic3A_21 = arith.addf %logistic3A_20, %logistic3A_18 : vector<256x512xf32>
      %logistic3A_22 = arith.divf %logistic3A_20, %logistic3A_21 : vector<256x512xf32>
      %mul3A = arith.mulf %dot_general3A_10, %logistic3A_22 : vector<256x512xf32>
      %mul3A_23 = arith.mulf %mul3A, %dot_general3A_17 : vector<256x512xf32>
      %get3A_24 = arith.constant 0 : index
      %get3A_25 = arith.constant 0 : index
      %get3A_26 = arith.constant 0 : index
      %get3A_27 = vector.load %arg6[%get3A_24, %get3A_25, %get3A_26] : memref<1x1024x512xf32, #tpu.memory_space<vmem>>, vector<1x1024x512xf32>
      %get3A_28 = vector.shape_cast %get3A_27 : vector<1x1024x512xf32> to vector<1024x512xf32>
      %dot_general3A_29 = arith.constant dense<0.000000e+00> : vector<256x1024xf32>
      %dot_general3A_30 = tpu.matmul %mul3A_23, %get3A_28, %dot_general3A_29 {dimension_numbers = #tpu.dot_dimension_numbers<[1], [1], [0], [0], [0, 0, 1, 0], [], []>, transpose_lhs_hint = false} : vector<256x512xf32>, vector<1024x512xf32>, vector<256x1024xf32> -> vector<256x1024xf32>
      %swap3A = arith.constant 0 : index
      %swap3A_31 = arith.constant 0 : index
      %swap3A_32 = vector.load %arg7[%swap3A, %swap3A_31] : memref<256x1024xf32, #tpu.memory_space<vmem>>, vector<256x1024xf32>
      tpu.vector_store %arg7[%swap3A, %swap3A_31], %dot_general3A_30 {strides = array<i32>} : memref<256x1024xf32, #tpu.memory_space<vmem>>, vector<256x1024xf32>,
    } else {
    }
    return
  }
  func.func @transform_0(%arg0: i32, %arg1: memref<32xi32, #tpu.memory_space<smem>>, %arg2: memref<1xi32, #tpu.memory_space<smem>>) -> (i32, i32) {
    %get3A = arith.constant 0 : index
    %get3A_0 = memref.load %arg2[%get3A] : memref<1xi32, #tpu.memory_space<smem>>
    %sub3A = arith.constant 1 : i32
    %sub3A_1 = arith.subi %get3A_0, %sub3A : i32
    %min3A = arith.minsi %arg0, %sub3A_1 : i32
    %c0_i32 = arith.constant 0 : i32
    %c0_i32_2 = arith.constant 0 : i32
    return %min3A, %c0_i32 : i32, i32
  }
  func.func @transform_1(%arg0: i32, %arg1: memref<32xi32, #tpu.memory_space<smem>>, %arg2: memref<1xi32, #tpu.memory_space<smem>>) -> (i32, i32, i32) {
    %get3A = arith.index_cast %arg0 : i32 to index
    %get3A_0 = memref.load %arg1[%get3A] : memref<32xi32, #tpu.memory_space<smem>>
    %c0_i32 = arith.constant 0 : i32
    %c0_i32_1 = arith.constant 0 : i32
    %c0_i32_2 = arith.constant 0 : i32
    return %get3A_0, %c0_i32, %c0_i32_1 : i32, i32, i32
  }
  func.func @transform_2(%arg0: i32, %arg1: memref<32xi32, #tpu.memory_space<smem>>, %arg2: memref<1xi32, #tpu.memory_space<smem>>) -> (i32, i32, i32) {
    %get3A = arith.index_cast %arg0 : i32 to index
    %get3A_0 = memref.load %arg1[%get3A] : memref<32xi32, #tpu.memory_space<smem>>
    %c0_i32 = arith.constant 0 : i32
    %c0_i32_1 = arith.constant 0 : i32
    %c0_i32_2 = arith.constant 0 : i32
    return %get3A_0, %c0_i32, %c0_i32_1 : i32, i32, i32
  }
  func.func @transform_3(%arg0: i32, %arg1: memref<32xi32, #tpu.memory_space<smem>>, %arg2: memref<1xi32, #tpu.memory_space<smem>>) -> (i32, i32, i32) {
    %get3A = arith.index_cast %arg0 : i32 to index
    %get3A_0 = memref.load %arg1[%get3A] : memref<32xi32, #tpu.memory_space<smem>>
    %c0_i32 = arith.constant 0 : i32
    %c0_i32_1 = arith.constant 0 : i32
    %c0_i32_2 = arith.constant 0 : i32
    return %get3A_0, %c0_i32, %c0_i32_1 : i32, i32, i32
  }
  func.func @transform_4(%arg0: i32, %arg1: memref<32xi32, #tpu.memory_space<smem>>, %arg2: memref<1xi32, #tpu.memory_space<smem>>) -> (i32, i32) {
    %get3A = arith.constant 0 : index
    %get3A_0 = memref.load %arg2[%get3A] : memref<1xi32, #tpu.memory_space<smem>>
    %sub3A = arith.constant 1 : i32
    %sub3A_1 = arith.subi %get3A_0, %sub3A : i32
    %min3A = arith.minsi %arg0, %sub3A_1 : i32
    %c0_i32 = arith.constant 0 : i32
    %c0_i32_2 = arith.constant 0 : i32
    return %min3A, %c0_i32 : i32, i32
  }
}

module attributes {stable_mosaic.version = 14 : i64} {
  func.func @_combine_body(%arg0: i32, %arg1: memref<512x1024xf32, #tpu.memory_space<vmem>>, %arg2: memref<256x2xf32, #tpu.memory_space<vmem>>, %arg3: memref<256x1024xf32, #tpu.memory_space<vmem>>) attributes {dimension_semantics = [#tpu.dimension_semantics<arbitrary>], iteration_bounds = array<i64: 8>, scalar_prefetch = 0 : i64, scratch_operands = 0 : i64, tpu.core_type = #tpu.core_type<tc>, window_params = [{transform_indices = @transform_0, window_bounds = array<i64: 512, 1024>}, {transform_indices = @transform_1, window_bounds = array<i64: 256, 2>}, {transform_indices = @transform_2, window_bounds = array<i64: 256, 1024>}]} {
    %get3A = arith.constant 0 : index
    %get3A_0 = arith.constant 0 : index
    %get3A_1 = vector.load %arg2[%get3A, %get3A_0] : memref<256x2xf32, #tpu.memory_space<vmem>>, vector<256x2xf32>
    %iota3A = tpu.iota {dimensions = array<i32: 1>} : vector<256x2xi32>
    %eq3A = arith.constant 0 : i32
    %eq3A_2 = vector.broadcast %eq3A : i32 to vector<256x2xi32>
    %eq3A_3 = arith.cmpi eq, %iota3A, %eq3A_2 : vector<256x2xi32>
    %jit3A = arith.constant 0.000000e+00 : f32
    %broadcast_in_dim3A = vector.broadcast %jit3A : f32 to vector<256x2xf32>
    %select_n3A = arith.select %eq3A_3, %get3A_1, %broadcast_in_dim3A : vector<256x2xi1>, vector<256x2xf32>
    %reduce_sum3A = arith.constant dense<0.000000e+00> : vector<256xf32>
    %reduce_sum3A_4 = vector.multi_reduction <add>, %select_n3A, %reduce_sum3A [1] : vector<256x2xf32> to vector<256xf32>
    %broadcast_in_dim3A_5 = vector.shape_cast %reduce_sum3A_4 : vector<256xf32> to vector<256x1xf32>
    %eq3A_6 = arith.constant 1 : i32
    %eq3A_7 = vector.broadcast %eq3A_6 : i32 to vector<256x2xi32>
    %eq3A_8 = arith.cmpi eq, %iota3A, %eq3A_7 : vector<256x2xi32>
    %jit3A_9 = arith.constant 0.000000e+00 : f32
    %broadcast_in_dim3A_10 = vector.broadcast %jit3A_9 : f32 to vector<256x2xf32>
    %select_n3A_11 = arith.select %eq3A_8, %get3A_1, %broadcast_in_dim3A_10 : vector<256x2xi1>, vector<256x2xf32>
    %reduce_sum3A_12 = arith.constant dense<0.000000e+00> : vector<256xf32>
    %reduce_sum3A_13 = vector.multi_reduction <add>, %select_n3A_11, %reduce_sum3A_12 [1] : vector<256x2xf32> to vector<256xf32>
    %broadcast_in_dim3A_14 = vector.shape_cast %reduce_sum3A_13 : vector<256xf32> to vector<256x1xf32>
    %iota3A_15 = tpu.iota {dimensions = array<i32: 0>} : vector<256x512xi32>
    %iota3A_16 = tpu.iota {dimensions = array<i32: 1>} : vector<256x512xi32>
    %mul3A = arith.constant 2 : i32
    %mul3A_17 = vector.broadcast %mul3A : i32 to vector<256x512xi32>
    %mul3A_18 = arith.muli %mul3A_17, %iota3A_15 : vector<256x512xi32>
    %eq3A_19 = arith.cmpi eq, %iota3A_16, %mul3A_18 : vector<256x512xi32>
    %jit3A_20 = arith.constant 0.000000e+00 : f32
    %broadcast_in_dim3A_21 = vector.shape_cast %broadcast_in_dim3A_5 : vector<256x1xf32> to vector<256x1xf32>
    %broadcast_in_dim3A_22 = vector.broadcast %broadcast_in_dim3A_21 : vector<256x1xf32> to vector<256x512xf32>
    %broadcast_in_dim3A_23 = vector.broadcast %jit3A_20 : f32 to vector<256x512xf32>
    %select_n3A_24 = arith.select %eq3A_19, %broadcast_in_dim3A_22, %broadcast_in_dim3A_23 : vector<256x512xi1>, vector<256x512xf32>
    %mul3A_25 = arith.constant 2 : i32
    %mul3A_26 = vector.broadcast %mul3A_25 : i32 to vector<256x512xi32>
    %mul3A_27 = arith.muli %mul3A_26, %iota3A_15 : vector<256x512xi32>
    %add3A = arith.constant 1 : i32
    %add3A_28 = vector.broadcast %add3A : i32 to vector<256x512xi32>
    %add3A_29 = arith.addi %mul3A_27, %add3A_28 : vector<256x512xi32>
    %eq3A_30 = arith.cmpi eq, %iota3A_16, %add3A_29 : vector<256x512xi32>
    %jit3A_31 = arith.constant 0.000000e+00 : f32
    %broadcast_in_dim3A_32 = vector.shape_cast %broadcast_in_dim3A_14 : vector<256x1xf32> to vector<256x1xf32>
    %broadcast_in_dim3A_33 = vector.broadcast %broadcast_in_dim3A_32 : vector<256x1xf32> to vector<256x512xf32>
    %broadcast_in_dim3A_34 = vector.broadcast %jit3A_31 : f32 to vector<256x512xf32>
    %select_n3A_35 = arith.select %eq3A_30, %broadcast_in_dim3A_33, %broadcast_in_dim3A_34 : vector<256x512xi1>, vector<256x512xf32>
    %add3A_36 = arith.addf %select_n3A_24, %select_n3A_35 : vector<256x512xf32>
    %get3A_37 = arith.constant 0 : index
    %get3A_38 = arith.constant 0 : index
    %get3A_39 = vector.load %arg1[%get3A_37, %get3A_38] : memref<512x1024xf32, #tpu.memory_space<vmem>>, vector<512x1024xf32>
    %dot_general3A = arith.constant dense<0.000000e+00> : vector<256x1024xf32>
    %dot_general3A_40 = tpu.matmul %add3A_36, %get3A_39, %dot_general3A {dimension_numbers = #tpu.dot_dimension_numbers<[1], [0], [0], [1], [0, 0, 1, 1], [], []>, transpose_lhs_hint = false} : vector<256x512xf32>, vector<512x1024xf32>, vector<256x1024xf32> -> vector<256x1024xf32>
    %swap3A = arith.constant 0 : index
    %swap3A_41 = arith.constant 0 : index
    %swap3A_42 = vector.load %arg3[%swap3A, %swap3A_41] : memref<256x1024xf32, #tpu.memory_space<vmem>>, vector<256x1024xf32>
    tpu.vector_store %arg3[%swap3A, %swap3A_41], %dot_general3A_40 {strides = array<i32>} : memref<256x1024xf32, #tpu.memory_space<vmem>>, vector<256x1024xf32>,
    return
  }
  func.func @transform_0(%arg0: i32) -> (i32, i32) {
    %c0_i32 = arith.constant 0 : i32
    %c0_i32_0 = arith.constant 0 : i32
    return %arg0, %c0_i32 : i32, i32
  }
  func.func @transform_1(%arg0: i32) -> (i32, i32) {
    %c0_i32 = arith.constant 0 : i32
    %c0_i32_0 = arith.constant 0 : i32
    return %arg0, %c0_i32 : i32, i32
  }
  func.func @transform_2(%arg0: i32) -> (i32, i32) {
    %c0_i32 = arith.constant 0 : i32
    %c0_i32_0 = arith.constant 0 : i32
    return %arg0, %c0_i32 : i32, i32
  }
}

module attributes {stable_mosaic.version = 14 : i64} {
  func.func @_router_body(%arg0: i32, %arg1: memref<512x1024xf32, #tpu.memory_space<vmem>>, %arg2: memref<16x1024xf32, #tpu.memory_space<vmem>>, %arg3: memref<1x16xf32, #tpu.memory_space<vmem>>, %arg4: memref<512x2xf32, #tpu.memory_space<vmem>>, %arg5: memref<2048x2xi32, #tpu.memory_space<vmem>>, %arg6: memref<32x1xi32, #tpu.memory_space<vmem>>, %arg7: memref<1x1xi32, #tpu.memory_space<vmem>>, %arg8: memref<1x16xf32, #tpu.memory_space<vmem>>, %arg9: memref<2048x2xi32, #tpu.memory_space<vmem>>, %arg10: memref<2048x2xi32, #tpu.memory_space<vmem>>) attributes {dimension_semantics = [#tpu.dimension_semantics<arbitrary>], iteration_bounds = array<i64: 5>, scalar_prefetch = 0 : i64, scratch_operands = 3 : i64, tpu.core_type = #tpu.core_type<tc>, window_params = [{transform_indices = @transform_0, window_bounds = array<i64: 512, 1024>}, {pipeline_mode = #tpu.pipeline_mode<synchronous>, transform_indices = @transform_1, window_bounds = array<i64: 16, 1024>}, {pipeline_mode = #tpu.pipeline_mode<synchronous>, transform_indices = @transform_2, window_bounds = array<i64: 1, 16>}, {transform_indices = @transform_3, window_bounds = array<i64: 512, 2>}, {pipeline_mode = #tpu.pipeline_mode<synchronous>, transform_indices = @transform_4, window_bounds = array<i64: 2048, 2>}, {pipeline_mode = #tpu.pipeline_mode<synchronous>, transform_indices = @transform_5, window_bounds = array<i64: 32, 1>}, {pipeline_mode = #tpu.pipeline_mode<synchronous>, transform_indices = @transform_6, window_bounds = array<i64: 1, 1>}]} {
    %eq3A = arith.constant 0 : i32
    %eq3A_0 = arith.cmpi eq, %arg0, %eq3A : i32
    %convert_element_type3A = arith.extui %eq3A_0 : i1 to i32
    %cond3A = arith.constant 0 : i32
    %cond3A_1 = arith.cmpi ne, %convert_element_type3A, %cond3A : i32
    scf.if %cond3A_1 {
      %broadcast_in_dim3A = arith.constant 0.000000e+00 : f32
      %broadcast_in_dim3A_11 = vector.broadcast %broadcast_in_dim3A : f32 to vector<1x16xf32>
      %swap3A = arith.constant 0 : index
      %swap3A_12 = arith.constant 0 : index
      %swap3A_13 = vector.load %arg8[%swap3A, %swap3A_12] : memref<1x16xf32, #tpu.memory_space<vmem>>, vector<1x16xf32>
      tpu.vector_store %arg8[%swap3A, %swap3A_12], %broadcast_in_dim3A_11 {strides = array<i32>} : memref<1x16xf32, #tpu.memory_space<vmem>>, vector<1x16xf32>,
    } else {
    }
    %lt3A = arith.constant 4 : i32
    %lt3A_2 = arith.cmpi slt, %arg0, %lt3A : i32
    %convert_element_type3A_3 = arith.extui %lt3A_2 : i1 to i32
    %cond3A_4 = arith.constant 0 : i32
    %cond3A_5 = arith.cmpi ne, %convert_element_type3A_3, %cond3A_4 : i32
    scf.if %cond3A_5 {
      %get3A = arith.constant 0 : index
      %get3A_11 = arith.constant 0 : index
      %get3A_12 = vector.load %arg1[%get3A, %get3A_11] : memref<512x1024xf32, #tpu.memory_space<vmem>>, vector<512x1024xf32>
      %get3A_13 = arith.constant 0 : index
      %get3A_14 = arith.constant 0 : index
      %get3A_15 = vector.load %arg2[%get3A_13, %get3A_14] : memref<16x1024xf32, #tpu.memory_space<vmem>>, vector<16x1024xf32>
      %dot_general3A = arith.constant dense<0.000000e+00> : vector<512x16xf32>
      %dot_general3A_16 = tpu.matmul %get3A_12, %get3A_15, %dot_general3A {dimension_numbers = #tpu.dot_dimension_numbers<[1], [1], [0], [0], [0, 0, 1, 0], [], []>, transpose_lhs_hint = false} : vector<512x1024xf32>, vector<16x1024xf32>, vector<512x16xf32> -> vector<512x16xf32>
      %reduce_max3A = arith.constant dense<0xFF800000> : vector<512xf32>
      %reduce_max3A_17 = vector.multi_reduction <maximumf>, %dot_general3A_16, %reduce_max3A [1] : vector<512x16xf32> to vector<512xf32>
      %broadcast_in_dim3A = vector.shape_cast %reduce_max3A_17 : vector<512xf32> to vector<512x1xf32>
      %sub3A = vector.broadcast %broadcast_in_dim3A : vector<512x1xf32> to vector<512x16xf32>
      %sub3A_18 = arith.subf %dot_general3A_16, %sub3A : vector<512x16xf32>
      %exp3A = math.exp %sub3A_18 : vector<512x16xf32>
      %reduce_sum3A = arith.constant dense<0.000000e+00> : vector<512xf32>
      %reduce_sum3A_19 = vector.multi_reduction <add>, %exp3A, %reduce_sum3A [1] : vector<512x16xf32> to vector<512xf32>
      %broadcast_in_dim3A_20 = vector.shape_cast %reduce_sum3A_19 : vector<512xf32> to vector<512x1xf32>
      %div3A = vector.broadcast %broadcast_in_dim3A_20 : vector<512x1xf32> to vector<512x16xf32>
      %div3A_21 = arith.divf %exp3A, %div3A : vector<512x16xf32>
      %get3A_22 = arith.constant 0 : index
      %get3A_23 = arith.constant 0 : index
      %get3A_24 = vector.load %arg3[%get3A_22, %get3A_23] : memref<1x16xf32, #tpu.memory_space<vmem>>, vector<1x16xf32>
      %add3A = vector.broadcast %get3A_24 : vector<1x16xf32> to vector<512x16xf32>
      %add3A_25 = arith.addf %div3A_21, %add3A : vector<512x16xf32>
      %iota3A = tpu.iota {dimensions = array<i32: 1>} : vector<512x16xi32>
      %reduce_max3A_26 = arith.constant dense<0xFF800000> : vector<512xf32>
      %reduce_max3A_27 = vector.multi_reduction <maximumf>, %add3A_25, %reduce_max3A_26 [1] : vector<512x16xf32> to vector<512xf32>
      %broadcast_in_dim3A_28 = vector.shape_cast %reduce_max3A_27 : vector<512xf32> to vector<512x1xf32>
      %eq3A_29 = vector.broadcast %broadcast_in_dim3A_28 : vector<512x1xf32> to vector<512x16xf32>
      %eq3A_30 = arith.cmpf oeq, %add3A_25, %eq3A_29 : vector<512x16xf32>
      %jit3A = arith.constant 16 : i32
      %broadcast_in_dim3A_31 = vector.broadcast %jit3A : i32 to vector<512x16xi32>
      %select_n3A = arith.select %eq3A_30, %iota3A, %broadcast_in_dim3A_31 : vector<512x16xi1>, vector<512x16xi32>
      %reduce_min3A = arith.constant dense<2147483647> : vector<512xi32>
      %reduce_min3A_32 = vector.multi_reduction <minsi>, %select_n3A, %reduce_min3A [1] : vector<512x16xi32> to vector<512xi32>
      %broadcast_in_dim3A_33 = vector.shape_cast %reduce_min3A_32 : vector<512xi32> to vector<512x1xi32>
      %eq3A_34 = vector.broadcast %broadcast_in_dim3A_33 : vector<512x1xi32> to vector<512x16xi32>
      %eq3A_35 = arith.cmpi eq, %iota3A, %eq3A_34 : vector<512x16xi32>
      %jit3A_36 = arith.constant -1.000000e+30 : f32
      %broadcast_in_dim3A_37 = vector.broadcast %jit3A_36 : f32 to vector<512x16xf32>
      %select_n3A_38 = arith.select %eq3A_35, %broadcast_in_dim3A_37, %add3A_25 : vector<512x16xi1>, vector<512x16xf32>
      %reduce_max3A_39 = arith.constant dense<0xFF800000> : vector<512xf32>
      %reduce_max3A_40 = vector.multi_reduction <maximumf>, %select_n3A_38, %reduce_max3A_39 [1] : vector<512x16xf32> to vector<512xf32>
      %broadcast_in_dim3A_41 = vector.shape_cast %reduce_max3A_40 : vector<512xf32> to vector<512x1xf32>
      %eq3A_42 = vector.broadcast %broadcast_in_dim3A_41 : vector<512x1xf32> to vector<512x16xf32>
      %eq3A_43 = arith.cmpf oeq, %select_n3A_38, %eq3A_42 : vector<512x16xf32>
      %jit3A_44 = arith.constant 16 : i32
      %broadcast_in_dim3A_45 = vector.broadcast %jit3A_44 : i32 to vector<512x16xi32>
      %select_n3A_46 = arith.select %eq3A_43, %iota3A, %broadcast_in_dim3A_45 : vector<512x16xi1>, vector<512x16xi32>
      %reduce_min3A_47 = arith.constant dense<2147483647> : vector<512xi32>
      %reduce_min3A_48 = vector.multi_reduction <minsi>, %select_n3A_46, %reduce_min3A_47 [1] : vector<512x16xi32> to vector<512xi32>
      %broadcast_in_dim3A_49 = vector.shape_cast %reduce_min3A_48 : vector<512xi32> to vector<512x1xi32>
      %add3A_50 = arith.addf %broadcast_in_dim3A_28, %broadcast_in_dim3A_41 : vector<512x1xf32>
      %add3A_51 = arith.constant 9.99999968E-21 : f32
      %add3A_52 = vector.broadcast %add3A_51 : f32 to vector<512x1xf32>
      %add3A_53 = arith.addf %add3A_50, %add3A_52 : vector<512x1xf32>
      %div3A_54 = arith.divf %broadcast_in_dim3A_28, %add3A_53 : vector<512x1xf32>
      %div3A_55 = arith.divf %broadcast_in_dim3A_41, %add3A_53 : vector<512x1xf32>
      %eq3A_56 = vector.broadcast %broadcast_in_dim3A_33 : vector<512x1xi32> to vector<512x16xi32>
      %eq3A_57 = arith.cmpi eq, %iota3A, %eq3A_56 : vector<512x16xi32>
      %convert_element_type3A_58 = arith.extui %eq3A_57 : vector<512x16xi1> to vector<512x16xi32>
      %convert_element_type3A_59 = arith.sitofp %convert_element_type3A_58 : vector<512x16xi32> to vector<512x16xf32>
      %eq3A_60 = vector.broadcast %broadcast_in_dim3A_49 : vector<512x1xi32> to vector<512x16xi32>
      %eq3A_61 = arith.cmpi eq, %iota3A, %eq3A_60 : vector<512x16xi32>
      %convert_element_type3A_62 = arith.extui %eq3A_61 : vector<512x16xi1> to vector<512x16xi32>
      %convert_element_type3A_63 = arith.sitofp %convert_element_type3A_62 : vector<512x16xi32> to vector<512x16xf32>
      %add3A_64 = arith.addf %convert_element_type3A_59, %convert_element_type3A_63 : vector<512x16xf32>
      %iota3A_65 = tpu.iota {dimensions = array<i32: 0>} : vector<512x512xi32>
      %iota3A_66 = tpu.iota {dimensions = array<i32: 1>} : vector<512x512xi32>
      %gt3A = arith.cmpi sgt, %iota3A_65, %iota3A_66 : vector<512x512xi32>
      %convert_element_type3A_67 = arith.extui %gt3A : vector<512x512xi1> to vector<512x512xi32>
      %convert_element_type3A_68 = arith.sitofp %convert_element_type3A_67 : vector<512x512xi32> to vector<512x512xf32>
      %dot_general3A_69 = arith.constant dense<0.000000e+00> : vector<512x16xf32>
      %dot_general3A_70 = tpu.matmul %convert_element_type3A_68, %add3A_64, %dot_general3A_69 {dimension_numbers = #tpu.dot_dimension_numbers<[1], [0], [0], [1], [0, 0, 1, 1], [], []>, transpose_lhs_hint = false} : vector<512x512xf32>, vector<512x16xf32>, vector<512x16xf32> -> vector<512x16xf32>
      %get3A_71 = arith.constant 0 : index
      %get3A_72 = arith.constant 0 : index
      %get3A_73 = vector.load %arg8[%get3A_71, %get3A_72] : memref<1x16xf32, #tpu.memory_space<vmem>>, vector<1x16xf32>
      %add3A_74 = vector.broadcast %get3A_73 : vector<1x16xf32> to vector<512x16xf32>
      %add3A_75 = arith.addf %dot_general3A_70, %add3A_74 : vector<512x16xf32>
      %mul3A = arith.mulf %add3A_75, %convert_element_type3A_59 : vector<512x16xf32>
      %reduce_sum3A_76 = arith.constant dense<0.000000e+00> : vector<512xf32>
      %reduce_sum3A_77 = vector.multi_reduction <add>, %mul3A, %reduce_sum3A_76 [1] : vector<512x16xf32> to vector<512xf32>
      %broadcast_in_dim3A_78 = vector.shape_cast %reduce_sum3A_77 : vector<512xf32> to vector<512x1xf32>
      %add3A_79 = vector.broadcast %get3A_73 : vector<1x16xf32> to vector<512x16xf32>
      %add3A_80 = arith.addf %dot_general3A_70, %add3A_79 : vector<512x16xf32>
      %mul3A_81 = arith.mulf %add3A_80, %convert_element_type3A_63 : vector<512x16xf32>
      %reduce_sum3A_82 = arith.constant dense<0.000000e+00> : vector<512xf32>
      %reduce_sum3A_83 = vector.multi_reduction <add>, %mul3A_81, %reduce_sum3A_82 [1] : vector<512x16xf32> to vector<512xf32>
      %broadcast_in_dim3A_84 = vector.shape_cast %reduce_sum3A_83 : vector<512xf32> to vector<512x1xf32>
      %reduce_sum3A_85 = arith.constant dense<0.000000e+00> : vector<16xf32>
      %reduce_sum3A_86 = vector.multi_reduction <add>, %add3A_64, %reduce_sum3A_85 [0] : vector<512x16xf32> to vector<16xf32>
      %broadcast_in_dim3A_87 = vector.shape_cast %reduce_sum3A_86 : vector<16xf32> to vector<1x16xf32>
      %add3A_88 = arith.addf %get3A_73, %broadcast_in_dim3A_87 : vector<1x16xf32>
      %swap3A = arith.constant 0 : index
      %swap3A_89 = arith.constant 0 : index
      %swap3A_90 = vector.load %arg8[%swap3A, %swap3A_89] : memref<1x16xf32, #tpu.memory_space<vmem>>, vector<1x16xf32>
      tpu.vector_store %arg8[%swap3A, %swap3A_89], %add3A_88 {strides = array<i32>} : memref<1x16xf32, #tpu.memory_space<vmem>>, vector<1x16xf32>,
      %concatenate3A = tpu.concatenate %div3A_54, %div3A_55 in 1 : vector<512x1xf32>, vector<512x1xf32> -> vector<512x2xf32>
      %swap3A_91 = arith.constant 0 : index
      %swap3A_92 = arith.constant 0 : index
      %swap3A_93 = vector.load %arg4[%swap3A_91, %swap3A_92] : memref<512x2xf32, #tpu.memory_space<vmem>>, vector<512x2xf32>
      tpu.vector_store %arg4[%swap3A_91, %swap3A_92], %concatenate3A {strides = array<i32>} : memref<512x2xf32, #tpu.memory_space<vmem>>, vector<512x2xf32>,
      %mul3A_94 = arith.constant 512 : i32
      %mul3A_95 = arith.muli %arg0, %mul3A_94 : i32
      %multiple_of3A = tpu.assume_multiple %mul3A_95, 512 : i32
      %concatenate3A_96 = tpu.concatenate %broadcast_in_dim3A_33, %broadcast_in_dim3A_49 in 1 : vector<512x1xi32>, vector<512x1xi32> -> vector<512x2xi32>
      %swap3A_97 = arith.index_cast %multiple_of3A : i32 to index
      %swap3A_98 = arith.constant 0 : index
      %swap3A_99 = vector.load %arg9[%swap3A_97, %swap3A_98] : memref<2048x2xi32, #tpu.memory_space<vmem>>, vector<512x2xi32>
      tpu.vector_store %arg9[%swap3A_97, %swap3A_98], %concatenate3A_96 {strides = array<i32>} : memref<2048x2xi32, #tpu.memory_space<vmem>>, vector<512x2xi32>,
      %concatenate3A_100 = tpu.concatenate %broadcast_in_dim3A_78, %broadcast_in_dim3A_84 in 1 : vector<512x1xf32>, vector<512x1xf32> -> vector<512x2xf32>
      %convert_element_type3A_101 = arith.fptosi %concatenate3A_100 : vector<512x2xf32> to vector<512x2xi32>
      %swap3A_102 = arith.index_cast %multiple_of3A : i32 to index
      %swap3A_103 = arith.constant 0 : index
      %swap3A_104 = vector.load %arg10[%swap3A_102, %swap3A_103] : memref<2048x2xi32, #tpu.memory_space<vmem>>, vector<512x2xi32>
      tpu.vector_store %arg10[%swap3A_102, %swap3A_103], %convert_element_type3A_101 {strides = array<i32>} : memref<2048x2xi32, #tpu.memory_space<vmem>>, vector<512x2xi32>,
    } else {
    }
    %eq3A_6 = arith.constant 4 : i32
    %eq3A_7 = arith.cmpi eq, %arg0, %eq3A_6 : i32
    %convert_element_type3A_8 = arith.extui %eq3A_7 : i1 to i32
    %cond3A_9 = arith.constant 0 : i32
    %cond3A_10 = arith.cmpi ne, %convert_element_type3A_8, %cond3A_9 : i32
    scf.if %cond3A_10 {
      %get3A = arith.constant 0 : index
      %get3A_11 = arith.constant 0 : index
      %get3A_12 = vector.load %arg8[%get3A, %get3A_11] : memref<1x16xf32, #tpu.memory_space<vmem>>, vector<1x16xf32>
      %convert_element_type3A_13 = arith.fptosi %get3A_12 : vector<1x16xf32> to vector<1x16xi32>
      %add3A = arith.constant 255 : i32
      %add3A_14 = vector.broadcast %add3A : i32 to vector<1x16xi32>
      %add3A_15 = arith.addi %convert_element_type3A_13, %add3A_14 : vector<1x16xi32>
      %jit3A = arith.constant 256 : i32
      %div3A = vector.broadcast %jit3A : i32 to vector<1x16xi32>
      %div3A_16 = arith.divsi %add3A_15, %div3A : vector<1x16xi32>
      %sign3A = arith.constant 0 : i32
      %sign3A_17 = vector.broadcast %sign3A : i32 to vector<1x16xi32>
      %sign3A_18 = arith.cmpi sgt, %add3A_15, %sign3A_17 : vector<1x16xi32>
      %sign3A_19 = arith.extui %sign3A_18 : vector<1x16xi1> to vector<1x16xi32>
      %sign3A_20 = arith.constant 0 : i32
      %sign3A_21 = vector.broadcast %sign3A_20 : i32 to vector<1x16xi32>
      %sign3A_22 = arith.cmpi slt, %add3A_15, %sign3A_21 : vector<1x16xi32>
      %sign3A_23 = arith.extui %sign3A_22 : vector<1x16xi1> to vector<1x16xi32>
      %sign3A_24 = arith.subi %sign3A_19, %sign3A_23 : vector<1x16xi32>
      %sign3A_25 = arith.constant 0 : i32
      %sign3A_26 = arith.cmpi sgt, %jit3A, %sign3A_25 : i32
      %sign3A_27 = arith.extui %sign3A_26 : i1 to i32
      %sign3A_28 = arith.constant 0 : i32
      %sign3A_29 = arith.cmpi slt, %jit3A, %sign3A_28 : i32
      %sign3A_30 = arith.extui %sign3A_29 : i1 to i32
      %sign3A_31 = arith.subi %sign3A_27, %sign3A_30 : i32
      %ne3A = vector.broadcast %sign3A_31 : i32 to vector<1x16xi32>
      %ne3A_32 = arith.cmpi ne, %sign3A_24, %ne3A : vector<1x16xi32>
      %rem3A = vector.broadcast %jit3A : i32 to vector<1x16xi32>
      %rem3A_33 = arith.remsi %add3A_15, %rem3A : vector<1x16xi32>
      %ne3A_34 = arith.constant 0 : i32
      %ne3A_35 = vector.broadcast %ne3A_34 : i32 to vector<1x16xi32>
      %ne3A_36 = arith.cmpi ne, %rem3A_33, %ne3A_35 : vector<1x16xi32>
      %and3A = arith.andi %ne3A_32, %ne3A_36 : vector<1x16xi1>
      %sub3A = arith.constant 1 : i32
      %sub3A_37 = vector.broadcast %sub3A : i32 to vector<1x16xi32>
      %sub3A_38 = arith.subi %div3A_16, %sub3A_37 : vector<1x16xi32>
      %select_n3A = arith.select %and3A, %sub3A_38, %div3A_16 : vector<1x16xi1>, vector<1x16xi32>
      %convert_element_type3A_39 = arith.sitofp %select_n3A : vector<1x16xi32> to vector<1x16xf32>
      %iota3A = tpu.iota {dimensions = array<i32: 0>} : vector<16x16xi32>
      %iota3A_40 = tpu.iota {dimensions = array<i32: 1>} : vector<16x16xi32>
      %lt3A_41 = arith.cmpi slt, %iota3A, %iota3A_40 : vector<16x16xi32>
      %convert_element_type3A_42 = arith.extui %lt3A_41 : vector<16x16xi1> to vector<16x16xi32>
      %convert_element_type3A_43 = arith.sitofp %convert_element_type3A_42 : vector<16x16xi32> to vector<16x16xf32>
      %dot_general3A = arith.constant dense<0.000000e+00> : vector<1x16xf32>
      %dot_general3A_44 = tpu.matmul %convert_element_type3A_39, %convert_element_type3A_43, %dot_general3A {dimension_numbers = #tpu.dot_dimension_numbers<[1], [0], [0], [1], [0, 0, 1, 1], [], []>, transpose_lhs_hint = false} : vector<1x16xf32>, vector<16x16xf32>, vector<1x16xf32> -> vector<1x16xf32>
      %mul3A = arith.constant 2.560000e+02 : f32
      %mul3A_45 = vector.broadcast %mul3A : f32 to vector<1x16xf32>
      %mul3A_46 = arith.mulf %dot_general3A_44, %mul3A_45 : vector<1x16xf32>
      %get3A_47 = arith.constant 0 : index
      %get3A_48 = arith.constant 0 : index
      %get3A_49 = vector.load %arg9[%get3A_47, %get3A_48] : memref<2048x2xi32, #tpu.memory_space<vmem>>, vector<2048x2xi32>
      %get3A_50 = arith.constant 0 : index
      %get3A_51 = arith.constant 0 : index
      %get3A_52 = vector.load %arg10[%get3A_50, %get3A_51] : memref<2048x2xi32, #tpu.memory_space<vmem>>, vector<2048x2xi32>
      %iota3A_53 = tpu.iota {dimensions = array<i32: 1>} : vector<2048x16xi32>
      %iota3A_54 = tpu.iota {dimensions = array<i32: 1>} : vector<2048x2xi32>
      %eq3A_55 = arith.constant 0 : i32
      %eq3A_56 = vector.broadcast %eq3A_55 : i32 to vector<2048x2xi32>
      %eq3A_57 = arith.cmpi eq, %iota3A_54, %eq3A_56 : vector<2048x2xi32>
      %jit3A_58 = arith.constant 0 : i32
      %broadcast_in_dim3A = vector.broadcast %jit3A_58 : i32 to vector<2048x2xi32>
      %select_n3A_59 = arith.select %eq3A_57, %get3A_49, %broadcast_in_dim3A : vector<2048x2xi1>, vector<2048x2xi32>
      %reduce_sum3A = arith.constant dense<0> : vector<2048xi32>
      %reduce_sum3A_60 = vector.multi_reduction <add>, %select_n3A_59, %reduce_sum3A [1] : vector<2048x2xi32> to vector<2048xi32>
      %broadcast_in_dim3A_61 = vector.shape_cast %reduce_sum3A_60 : vector<2048xi32> to vector<2048x1xi32>
      %eq3A_62 = arith.constant 1 : i32
      %eq3A_63 = vector.broadcast %eq3A_62 : i32 to vector<2048x2xi32>
      %eq3A_64 = arith.cmpi eq, %iota3A_54, %eq3A_63 : vector<2048x2xi32>
      %jit3A_65 = arith.constant 0 : i32
      %broadcast_in_dim3A_66 = vector.broadcast %jit3A_65 : i32 to vector<2048x2xi32>
      %select_n3A_67 = arith.select %eq3A_64, %get3A_49, %broadcast_in_dim3A_66 : vector<2048x2xi1>, vector<2048x2xi32>
      %reduce_sum3A_68 = arith.constant dense<0> : vector<2048xi32>
      %reduce_sum3A_69 = vector.multi_reduction <add>, %select_n3A_67, %reduce_sum3A_68 [1] : vector<2048x2xi32> to vector<2048xi32>
      %broadcast_in_dim3A_70 = vector.shape_cast %reduce_sum3A_69 : vector<2048xi32> to vector<2048x1xi32>
      %eq3A_71 = arith.constant 0 : i32
      %eq3A_72 = vector.broadcast %eq3A_71 : i32 to vector<2048x2xi32>
      %eq3A_73 = arith.cmpi eq, %iota3A_54, %eq3A_72 : vector<2048x2xi32>
      %jit3A_74 = arith.constant 0 : i32
      %broadcast_in_dim3A_75 = vector.broadcast %jit3A_74 : i32 to vector<2048x2xi32>
      %select_n3A_76 = arith.select %eq3A_73, %get3A_52, %broadcast_in_dim3A_75 : vector<2048x2xi1>, vector<2048x2xi32>
      %reduce_sum3A_77 = arith.constant dense<0> : vector<2048xi32>
      %reduce_sum3A_78 = vector.multi_reduction <add>, %select_n3A_76, %reduce_sum3A_77 [1] : vector<2048x2xi32> to vector<2048xi32>
      %broadcast_in_dim3A_79 = vector.shape_cast %reduce_sum3A_78 : vector<2048xi32> to vector<2048x1xi32>
      %eq3A_80 = arith.constant 1 : i32
      %eq3A_81 = vector.broadcast %eq3A_80 : i32 to vector<2048x2xi32>
      %eq3A_82 = arith.cmpi eq, %iota3A_54, %eq3A_81 : vector<2048x2xi32>
      %jit3A_83 = arith.constant 0 : i32
      %broadcast_in_dim3A_84 = vector.broadcast %jit3A_83 : i32 to vector<2048x2xi32>
      %select_n3A_85 = arith.select %eq3A_82, %get3A_52, %broadcast_in_dim3A_84 : vector<2048x2xi1>, vector<2048x2xi32>
      %reduce_sum3A_86 = arith.constant dense<0> : vector<2048xi32>
      %reduce_sum3A_87 = vector.multi_reduction <add>, %select_n3A_85, %reduce_sum3A_86 [1] : vector<2048x2xi32> to vector<2048xi32>
      %broadcast_in_dim3A_88 = vector.shape_cast %reduce_sum3A_87 : vector<2048xi32> to vector<2048x1xi32>
      %eq3A_89 = vector.broadcast %broadcast_in_dim3A_61 : vector<2048x1xi32> to vector<2048x16xi32>
      %eq3A_90 = arith.cmpi eq, %eq3A_89, %iota3A_53 : vector<2048x16xi32>
      %jit3A_91 = arith.constant 0.000000e+00 : f32
      %broadcast_in_dim3A_92 = vector.shape_cast %mul3A_46 : vector<1x16xf32> to vector<1x16xf32>
      %broadcast_in_dim3A_93 = vector.broadcast %broadcast_in_dim3A_92 : vector<1x16xf32> to vector<2048x16xf32>
      %broadcast_in_dim3A_94 = vector.broadcast %jit3A_91 : f32 to vector<2048x16xf32>
      %select_n3A_95 = arith.select %eq3A_90, %broadcast_in_dim3A_93, %broadcast_in_dim3A_94 : vector<2048x16xi1>, vector<2048x16xf32>
      %reduce_sum3A_96 = arith.constant dense<0.000000e+00> : vector<2048xf32>
      %reduce_sum3A_97 = vector.multi_reduction <add>, %select_n3A_95, %reduce_sum3A_96 [1] : vector<2048x16xf32> to vector<2048xf32>
      %broadcast_in_dim3A_98 = vector.shape_cast %reduce_sum3A_97 : vector<2048xf32> to vector<2048x1xf32>
      %eq3A_99 = vector.broadcast %broadcast_in_dim3A_70 : vector<2048x1xi32> to vector<2048x16xi32>
      %eq3A_100 = arith.cmpi eq, %eq3A_99, %iota3A_53 : vector<2048x16xi32>
      %jit3A_101 = arith.constant 0.000000e+00 : f32
      %broadcast_in_dim3A_102 = vector.shape_cast %mul3A_46 : vector<1x16xf32> to vector<1x16xf32>
      %broadcast_in_dim3A_103 = vector.broadcast %broadcast_in_dim3A_102 : vector<1x16xf32> to vector<2048x16xf32>
      %broadcast_in_dim3A_104 = vector.broadcast %jit3A_101 : f32 to vector<2048x16xf32>
      %select_n3A_105 = arith.select %eq3A_100, %broadcast_in_dim3A_103, %broadcast_in_dim3A_104 : vector<2048x16xi1>, vector<2048x16xf32>
      %reduce_sum3A_106 = arith.constant dense<0.000000e+00> : vector<2048xf32>
      %reduce_sum3A_107 = vector.multi_reduction <add>, %select_n3A_105, %reduce_sum3A_106 [1] : vector<2048x16xf32> to vector<2048xf32>
      %broadcast_in_dim3A_108 = vector.shape_cast %reduce_sum3A_107 : vector<2048xf32> to vector<2048x1xf32>
      %convert_element_type3A_109 = arith.fptosi %broadcast_in_dim3A_98 : vector<2048x1xf32> to vector<2048x1xi32>
      %add3A_110 = arith.addi %convert_element_type3A_109, %broadcast_in_dim3A_79 : vector<2048x1xi32>
      %convert_element_type3A_111 = arith.fptosi %broadcast_in_dim3A_108 : vector<2048x1xf32> to vector<2048x1xi32>
      %add3A_112 = arith.addi %convert_element_type3A_111, %broadcast_in_dim3A_88 : vector<2048x1xi32>
      %concatenate3A = tpu.concatenate %add3A_110, %add3A_112 in 1 : vector<2048x1xi32>, vector<2048x1xi32> -> vector<2048x2xi32>
      %swap3A = arith.constant 0 : index
      %swap3A_113 = arith.constant 0 : index
      %swap3A_114 = vector.load %arg5[%swap3A, %swap3A_113] : memref<2048x2xi32, #tpu.memory_space<vmem>>, vector<2048x2xi32>
      tpu.vector_store %arg5[%swap3A, %swap3A_113], %concatenate3A {strides = array<i32>} : memref<2048x2xi32, #tpu.memory_space<vmem>>, vector<2048x2xi32>,
      %add3A_115 = arith.addf %dot_general3A_44, %convert_element_type3A_39 : vector<1x16xf32>
      %iota3A_116 = tpu.iota {dimensions = array<i32: 0>} : vector<32x16xi32>
      %convert_element_type3A_117 = arith.sitofp %iota3A_116 : vector<32x16xi32> to vector<32x16xf32>
      %le3A = vector.broadcast %add3A_115 : vector<1x16xf32> to vector<32x16xf32>
      %le3A_118 = arith.cmpf ole, %le3A, %convert_element_type3A_117 : vector<32x16xf32>
      %convert_element_type3A_119 = arith.extui %le3A_118 : vector<32x16xi1> to vector<32x16xi32>
      %reduce_sum3A_120 = arith.constant dense<0> : vector<32xi32>
      %reduce_sum3A_121 = vector.multi_reduction <add>, %convert_element_type3A_119, %reduce_sum3A_120 [1] : vector<32x16xi32> to vector<32xi32>
      %broadcast_in_dim3A_122 = vector.shape_cast %reduce_sum3A_121 : vector<32xi32> to vector<32x1xi32>
      %min3A = arith.constant 15 : i32
      %min3A_123 = vector.broadcast %min3A : i32 to vector<32x1xi32>
      %min3A_124 = arith.minsi %broadcast_in_dim3A_122, %min3A_123 : vector<32x1xi32>
      %swap3A_125 = arith.constant 0 : index
      %swap3A_126 = arith.constant 0 : index
      %swap3A_127 = vector.load %arg6[%swap3A_125, %swap3A_126] : memref<32x1xi32, #tpu.memory_space<vmem>>, vector<32x1xi32>
      tpu.vector_store %arg6[%swap3A_125, %swap3A_126], %min3A_124 {strides = array<i32>} : memref<32x1xi32, #tpu.memory_space<vmem>>, vector<32x1xi32>,
      %reduce_sum3A_128 = arith.constant dense<0> : vector<1xi32>
      %reduce_sum3A_129 = vector.multi_reduction <add>, %select_n3A, %reduce_sum3A_128 [1] : vector<1x16xi32> to vector<1xi32>
      %broadcast_in_dim3A_130 = vector.shape_cast %reduce_sum3A_129 : vector<1xi32> to vector<1x1xi32>
      %swap3A_131 = arith.constant 0 : index
      %swap3A_132 = arith.constant 0 : index
      %swap3A_133 = vector.load %arg7[%swap3A_131, %swap3A_132] : memref<1x1xi32, #tpu.memory_space<vmem>>, vector<1x1xi32>
      tpu.vector_store %arg7[%swap3A_131, %swap3A_132], %broadcast_in_dim3A_130 {strides = array<i32>} : memref<1x1xi32, #tpu.memory_space<vmem>>, vector<1x1xi32>,
    } else {
    }
    return
  }
  func.func @transform_0(%arg0: i32) -> (i32, i32) {
    %min3A = arith.constant 3 : i32
    %min3A_0 = arith.minsi %arg0, %min3A : i32
    %c0_i32 = arith.constant 0 : i32
    %c0_i32_1 = arith.constant 0 : i32
    return %min3A_0, %c0_i32 : i32, i32
  }
  func.func @transform_1(%arg0: i32) -> (i32, i32) {
    %c0_i32 = arith.constant 0 : i32
    %c0_i32_0 = arith.constant 0 : i32
    %c0_i32_1 = arith.constant 0 : i32
    return %c0_i32, %c0_i32_0 : i32, i32
  }
  func.func @transform_2(%arg0: i32) -> (i32, i32) {
    %c0_i32 = arith.constant 0 : i32
    %c0_i32_0 = arith.constant 0 : i32
    %c0_i32_1 = arith.constant 0 : i32
    return %c0_i32, %c0_i32_0 : i32, i32
  }
  func.func @transform_3(%arg0: i32) -> (i32, i32) {
    %min3A = arith.constant 3 : i32
    %min3A_0 = arith.minsi %arg0, %min3A : i32
    %c0_i32 = arith.constant 0 : i32
    %c0_i32_1 = arith.constant 0 : i32
    return %min3A_0, %c0_i32 : i32, i32
  }
  func.func @transform_4(%arg0: i32) -> (i32, i32) {
    %c0_i32 = arith.constant 0 : i32
    %c0_i32_0 = arith.constant 0 : i32
    %c0_i32_1 = arith.constant 0 : i32
    return %c0_i32, %c0_i32_0 : i32, i32
  }
  func.func @transform_5(%arg0: i32) -> (i32, i32) {
    %c0_i32 = arith.constant 0 : i32
    %c0_i32_0 = arith.constant 0 : i32
    %c0_i32_1 = arith.constant 0 : i32
    return %c0_i32, %c0_i32_0 : i32, i32
  }
  func.func @transform_6(%arg0: i32) -> (i32, i32) {
    %c0_i32 = arith.constant 0 : i32
    %c0_i32_0 = arith.constant 0 : i32
    %c0_i32_1 = arith.constant 0 : i32
    return %c0_i32, %c0_i32_0 : i32, i32
  }
}

</mosaic_0001>

<sc_bundles>
// kernel: kernel.10.cloned.1.call-start
scs
__scs_entry_jumppad:
0x0: {  	(pc) =	sbr.rel $0x88, $3  }
0x1: {  	(tag) =	ssettag $0x0;
	lr =	simm.s32 $0x1  }
0x2: {  	[smem:$0x3F9B] =	sst lr;
	_ =	strace $0xD0000000  }
0x3: {  	_ = 	snop  }
0x4: {  	_ = 	snop  }
0x5: {  	_ = 	snop  }
0x6: {  	_ = 	snop  }
0x7: {  	_ = 	snop  }
__scs_overlays_trampoline_lowered:
0x8: {  	[smem:$0x3FAA] =	sst s0  }
0x9: {  	[smem:$0x3FAB] =	sst s1  }
0xa: {  	[smem:$0x3FAC] =	sst s2  }
0xb: {  	[smem:$0x3FAD] =	sst s3  }
0xc: {  	[smem:$0x3FAE] =	sst s4  }
0xd: {  	[smem:$0x3FAF] =	sst s5  }
0xe: {  	[smem:$0x3FB0] =	sst s6  }
0xf: {  	[smem:$0x3FB1] =	sst s7  }
0x10: {  	[smem:$0x3FB2] =	sst s8  }
0x11: {  	[smem:$0x3FB3] =	sst s9;
	s0 =	simm.s32 @!p0 $0x0  }
0x12: {  	s1 =	sld [smem:$0x3F99];
	s0 =	simm.s32 @p0 $0x1  }
0x13: {  	[smem:$0x3FB4] =	sst s0;
	s0 =	simm.s32 @!p1 $0x0  }
0x14: {  	s2 =	sld [smem:$0x3F98];
	s0 =	simm.s32 @p1 $0x1  }
0x15: {  	[smem:$0x3FB5] =	sst s0;
	s0 =	simm.s32 @!p2 $0x0  }
0x16: {  	s3 =	sld [smem:$0x3FDB];
	s0 =	simm.s32 @p2 $0x1  }
0x17: {  	s4 =	simm.s32 $0x1BF5;
	[smem:$0x3FB7] =	sst s0  }
0x18: {  	s0 =	sld [smem:$0x3F9A];
	_ =	swait.ge [sflag:s4], $0x0  }
0x19: {  	s7 =	sld [smem:$0x3F9B]  }
0x1a: {  	s8 =	sadd.s32 $0xFFFFE003, lr  }
0x1b: {  	s9 =	sadd.s32 $0xFFFFFEF7, lr;
	s5 =	simm.s32 $0xFFFFFFFF;
	p2 =	slt.u32 s8, $0xFFFFF086  }
0x1c: {  	p1 =	slt.u32 s9, $0xF7A;
	s5 =	simm.s32 @!p2 $0x0  }
0x1d: {  	s5 =	simm.s32 @p1 $0x1;
	p0 =	seq.s32 s7, s2  }
0x1e: {  	s7 =	smul.u32 @!p0 $0xF7A, s2;
	p2 =	seq.s32 @!p0 s5, $0x0  }
0x1f: {  	s9 =	smul.u32 $0xF7A, s1;
	s8 =	simm.s32 @!p0 $0x1BF5;
	p2 =	por !p2, p0  }
0x20: {  	[sflag:s8] =	ssyncset.s32 @!p0 $0xFFFFF086;
	s6 =	sadd.s32 @!p0 s3, s7;
	s7 =	simm.s32 @!p0 $0x108  }
0x21: {  	s3 =	sadd.s32 s3, s9;
	s6 =	sadd.s32 @!p0 $0x88, s6;
	s7 =	simm.s32 @p2 $0x1082  }
0x22: {  	[simem:s7], [sflag:s8] =	dma.local @!p0 [hbm:s6], $0xF7A  }
0x23: {  	s9 =	sor.u32 $0xD0000000, s2;
	s6 =	simm.s32 $0x108;
	_ =	swait.ge @!p0 [sflag:s8], $0x0  }
0x24: {  	s3 =	sadd.s32 $0x88, s3;
	s6 =	simm.s32 @!p1 $0x1082;
	[sflag:s4] =	ssyncset.s32 $0xFFFFF086  }
0x25: {  	[simem:s6], [sflag:s4] =	dma.local [hbm:s3], $0xF7A  }
0x26: {  	[smem:$0x3F9B] =	sst s1;
	(tag) =	ssettag s2;
	_ =	strace s9  }
0x27: {  	s1 =	sld [smem:$0x3FAB]  }
0x28: {  	s2 =	sld [smem:$0x3FAC]  }
0x29: {  	s4 =	sld [smem:$0x3FAE]  }
0x2a: {  	p0 =	seq.s32 s5, $0x0;
	s5 =	sld [smem:$0x3FAF]  }
0x2b: {  	s6 =	sld [smem:$0x3FB0]  }
0x2c: {  	s7 =	sld [smem:$0x3FB1]  }
0x2d: {  	s3 =	simm.s32 $0x108;
	s8 =	sld [smem:$0x3FB2]  }
0x2e: {  	s3 =	simm.s32 @!p0 $0x1082;
	s9 =	sld [smem:$0x3FB3]  }
0x2f: {  	lr =	sadd.s32 s0, s3;
	s0 =	sld [smem:$0x3FAA]  }
0x30: {  	s3 =	sld [smem:$0x3FAD]  }
0x31: {  	[smem:$0x3FB6] =	sst s10  }
0x32: {  	s10 =	sld [smem:$0x3FB4];
	_ =	sdelay $0x3  }
0x33: {  	p0 =	seq.s32 s10, $0x1;
	s10 =	sld [smem:$0x3FB6];
	_ =	sdelay $0x3  }
0x34: {  	[smem:$0x3FB6] =	sst s10  }
0x35: {  	s10 =	sld [smem:$0x3FB5];
	_ =	sdelay $0x3  }
0x36: {  	p1 =	seq.s32 s10, $0x1;
	s10 =	sld [smem:$0x3FB6];
	_ =	sdelay $0x3  }
0x37: {  	[smem:$0x3FB6] =	sst s10  }
0x38: {  	s10 =	sld [smem:$0x3FB7]  }
0x39: {  	_ = 	snop;
	(pc) =	sbr.ind lr, $3  }
0x3a: {  	_ = 	snop  }
0x3b: {  	_ = 	snop  }
0x3c: {  	p2 =	seq.s32 s10, $0x1;
	s10 =	sld [smem:$0x3FB6]  }
0x3d: {  	_ =	shalt  }
0x3e: {  	_ =	shalt  }
0x3f: {  	_ =	shalt  }
0x40: {  	_ =	shalt  }
0x41: {  	_ =	shalt  }
0x42: {  	_ =	shalt  }
0x43: {  	_ =	shalt  }
0x44: {  	_ =	shalt  }
0x45: {  	_ =	shalt  }
0x46: {  	_ =	shalt  }
0x47: {  	_ =	shalt  }
0x48: {  	_ =	shalt  }
0x49: {  	_ =	shalt  }
0x4a: {  	_ =	shalt  }
0x4b: {  	_ =	shalt  }
0x4c: {  	_ =	shalt  }
0x4d: {  	_ =	shalt  }
0x4e: {  	_ =	shalt  }
0x4f: {  	_ =	shalt  }
0x50: {  	_ =	shalt  }
0x51: {  	_ =	shalt  }
0x52: {  	_ =	shalt  }
0x53: {  	_ =	shalt  }
0x54: {  	_ =	shalt  }
0x55: {  	_ =	shalt  }
0x56: {  	_ =	shalt  }
0x57: {  	_ =	shalt  }
0x58: {  	_ =	shalt  }
0x59: {  	_ =	shalt  }
0x5a: {  	_ =	shalt  }
0x5b: {  	_ =	shalt  }
0x5c: {  	_ =	shalt  }
0x5d: {  	_ =	shalt  }
0x5e: {  	_ =	shalt  }
0x5f: {  	_ =	shalt  }
0x60: {  	_ =	shalt  }
0x61: {  	_ =	shalt  }
0x62: {  	_ =	shalt  }
0x63: {  	_ =	shalt  }
0x64: {  	_ =	shalt  }
0x65: {  	_ =	shalt  }
0x66: {  	_ =	shalt  }
0x67: {  	_ =	shalt  }
0x68: {  	_ =	shalt  }
0x69: {  	_ =	shalt  }
0x6a: {  	_ =	shalt  }
0x6b: {  	_ =	shalt  }
0x6c: {  	_ =	shalt  }
0x6d: {  	_ =	shalt  }
0x6e: {  	_ =	shalt  }
0x6f: {  	_ =	shalt  }
0x70: {  	_ =	shalt  }
0x71: {  	_ =	shalt  }
0x72: {  	_ =	shalt  }
0x73: {  	_ =	shalt  }
0x74: {  	_ =	shalt  }
0x75: {  	_ =	shalt  }
0x76: {  	_ =	shalt  }
0x77: {  	_ =	shalt  }
0x78: {  	_ =	shalt  }
0x79: {  	_ =	shalt  }
0x7a: {  	_ =	shalt  }
0x7b: {  	_ =	shalt  }
0x7c: {  	_ =	shalt  }
0x7d: {  	_ =	shalt  }
0x7e: {  	_ =	shalt  }
0x7f: {  	_ =	shalt  }
0x80: {  	_ =	shalt  }
0x81: {  	_ =	shalt  }
0x82: {  	_ =	shalt  }
0x83: {  	_ =	shalt  }
0x84: {  	_ =	shalt  }
0x85: {  	_ =	shalt  }
0x86: {  	_ =	shalt  }
0x87: {  	_ =	shalt  }
.Lfunc_end0:
.L_simem_size_0:
called_computation.1_lowered:
.L_overlay_start_0:
0x88: {  	s2 =	sld [smem:$0x3FD9]  }
0x89: {  	s3 =	sld [smem:$0x3FFE];
	_ =	sdelay $0x1  }
0x8a: {  	s1 =	srdreg.scid  }
0x8b: {  	s0 =	sand.u32 $0x1, s1  }
0x8c: {  	s17 =	sshll.u32 s0, $0xA;
	s2 =	sadd.s32 s3, s2  }
0x8d: {  	s2 =	sadd.s32 s2, s17  }
0x8e: {  	[smem:$0x3FC2] =	sst s2  }
0x8f: {  	_ = 	snop  }
0x90: {  	s2 =	sld [smem:$0x3FD0];
	(tm) =	ssettm $0x1  }
0x91: {  	s18 =	sld [smem:$0x3FFB];
	_ =	sdelay $0x3  }
0x92: {  	_ =	strace s18  }
0x93: {  	s3 =	sld [smem:$0x3FFC];
	_ =	sdelay $0x3  }
0x94: {  	_ =	strace s3  }
0x95: {  	s3 =	sld [smem:$0x3FFD];
	_ =	sdelay $0x3  }
0x96: {  	_ =	strace s3  }
0x97: {  	_ =	strace $0x8FFFFFFF  }
0x98: {  	s19 =	sld [smem:$0x3FDB];
	_ =	sdelay $0x1  }
0x99: {  	s4 =	simm.s32 $_scs_section_size  }
0x9a: {  	s5 =	simm.s32 $_size__tile_overlayer_lowered;
	s6 =	simm.s32 $_tile_overlayer_lowered  }
0x9b: {  	s22 =	simm.s32 $0x1BFF;
	s21 =	sshll.u32 s6, $0x1;
	s3 =	sadd.s32 s4, s19  }
0x9c: {  	s7 =	simm.s32 $0x0;
	s20 =	sshll.u32 s5, $0x1;
	s5 =	sadd.s32 s21, s3  }
0x9d: {  	[timem:s7], [sflag:s22] =	dma.local [hbm:s5], s20  }
0x9e: {  	_ =	swait.ge [sflag:s22], s20  }
0x9f: {  	s4 =	ssub.s32 $0x0, s20;
	[sflag:s22] =	ssyncset.done $0x0  }
0xa0: {  	[sflag:s22] =	ssyncadd.s32 s4;
	_ =	sdelay $0x1  }
0xa1: {  	s23 =	simm.s32 $0x1B8B  }
0xa2: {  	_ =	swait.ge [sflag:s23], $0x1  }
0xa3: {  	[sflag:s23] =	ssyncset.done $0x0  }
0xa4: {  	s25 =	simm.s32 $0x1B8E;
	s24 =	sld [smem:$0x3FFE];
	[sflag:s23] =	ssyncadd.s32 $0xFFFFFFFF  }
0xa5: {  	s26 =	simm.s32 $execute0_lowered;
	[smem:$0x3FD2] =	sst s25  }
0xa6: {  	s5 =	sshll.u32 s26, $0x1;
	_ =	strace $0x80000049;
	[dreg:$0x1] =	wrdreg $0xFFFFFFFF  }
0xa7: {  	s28 =	simm.s32 $_size_execute0_lowered;
	s3 =	sadd.s32 s3, s5;
	[dreg:$0x0] =	wrdreg $0x0  }
0xa8: {  	s5 =	sshll.u32 s28, $0x1;
	[dreg:$0x2] =	wrdreg s3  }
0xa9: {  	[dreg:$0x3] =	wrdreg s5  }
0xaa: {  	[dreg:$0x4] =	wrdreg $0xC0  }
0xab: {  	_ =	task [dreg:s7], $0x5FFFF  }
0xac: {  	[dreg:$0x1] =	wrdreg $0xFFFFFFFF  }
0xad: {  	[dreg:$0x0] =	wrdreg $0x60  }
0xae: {  	[dreg:$0x2] =	wrdreg s2  }
0xaf: {  	[dreg:$0x3] =	wrdreg s24  }
0xb0: {  	[dreg:$0x4] =	wrdreg $0x9  }
0xb1: {  	_ =	task.clear_ibuf [dreg:s7], $0x5FFFF;
	_ =	strace $0x90000049  }
0xb2: {  	s29 =	simm.s32 $0x9;
	_ =	strace $0x8000004B  }
0xb3: {  	_ =	swait.ge [sflag:s29], $0x1  }
0xb4: {  	[sflag:s29] =	ssyncadd.s32 $0xFFFFFFFF  }
0xb5: {  	_ =	strace $0x9000004B  }
0xb6: {  	_ =	sfence  }
0xb7: {  	s30 =	sld [smem:$0x0];
	_ =	sdelay $0x2  }
0xb8: {  	s31 =	sshll.u32 s1, $0xD;
	s1 =	sshrl.u32 s1, $0x2  }
0xb9: {  	s3 =	sand.u32 $0x4000, s31;
	s1 =	sadd.s32 s1, s30  }
0xba: {  	s0 =	sor.u32 s3, s0;
	s1 =	sshll.u32 s1, $0x11  }
0xbb: {  	s0 =	sor.u32 s1, s0  }
0xbc: {  	s0 =	sadd.s32 $0x8F2B, s0  }
0xbd: {  	[sflag:s0] =	ssyncadd.remote.s32 $0x1  }
0xbe: {  	_ =	sfence.sel $0xFFFF  }
0xbf: {  	[dreg:$0x0] =	wrdreg $0xFFFFFFFF;
	(pc) =	sbr.abs _section_cstart, $3  }
0xc0: {  	[dreg:$0x1] =	wrdreg $0xFFFFFFFF  }
0xc1: {  	_ =	task.clear_ibuf [dreg:s7], $0x2FFFF;
	_ =	strace $0x9FFFFFFF  }
0xc2: {  	(tm) =	ssettm $0x7FFFFFFF  }
0xc3: {  	_ =	shalt  }
tec
execute0_lowered:
.L_overlay_start_1:
0x0: {  	(tag) =	ssettag $0x1  }
0x1: {  	s0 =	rddreg [dreg:$0x0]  }
0x2: {  	s1 =	rddreg [dreg:$0x1]  }
0x3: {  	s2 =	srdreg.scid;
	s3 =	stileid.u32;
	s19 =	simm.s32 $0x2  }
0x4: {  	s21 =	simm.s32 $0x880;
	s28 =	simm.s32 $0x2880;
	s29 =	simm.s32 $0x3080  }
0x5: {  	s30 =	simm.s32 $0x3880;
	s31 =	simm.s32 $0x4080;
	s8 =	simm.s32 $0x4880  }
0x6: {  	s10 =	simm.s32 $0x5880;
	s11 =	simm.s32 $0x6080;
	s12 =	simm.s32 $0x6880  }
0x7: {  	s13 =	simm.s32 $0x7080;
	s14 =	simm.s32 $0x7880;
	s15 =	simm.s32 $0x8880  }
0x8: {  	s16 =	simm.s32 $0x9080;
	s17 =	simm.s32 $0x9880;
	s18 =	simm.s32 $0xA080  }
0x9: {  	s4 =	sand.u32 $0x1, s2;
	s2 =	simm.s32 $0x0;
	s3 =	sshll.u32 s3, $0x8  }
0xa: {  	s5 =	sshll.u32 s4, $0x7;
	[smem:$0x7FF] =	sst s2;
	s4 =	ssub.s32 $0x2, s4  }
0xb: {  	s3 =	sor.u32 s5, s3;
	_ =	strace $0x8000004A;
	s23 =	sshrl.u32 s4, $0x1  }
0xc: {  	s5 =	sshll.u32 s3, $0x7;
	s6 =	sshrl.u32 s3, $0x3;
	s3 =	sadd.s32 $0x101000, s1  }
0xd: {  	s7 =	ssub.s32 s4, s23;
	s5 =	sadd.s32 s5, s1;
	s0 =	sadd.s32 s0, s6  }
0xe: {  	s4 =	sadd.s32 $0x101100, s1;
	[dreg:$0x3] =	wrdreg s0;
	s22 =	sadd.s32 $0xE00, s5  }
0xf: {  	s23 =	simm.s32 $0x1880;
	s24 =	sadd.s32 $0x1E00, s5;
	[dreg:$0x4] =	wrdreg s22  }
0x10: {  	s6 =	sadd.s32 $0x101300, s1;
	s25 =	sadd.s32 $0x2E00, s5;
	[dreg:$0x5] =	wrdreg s24  }
0x11: {  	v2 =	vlaneseq.u32;
	s7 =	smax.u32 s7, $0x1;
	s26 =	sadd.s32 $0x3E00, s5;
	[dreg:$0x6] =	wrdreg s25  }
0x12: {  	vm0 =	vmmov $0xffff;
	v1 =	vshrl.u32 v2, $0x3;
	s5 =	sadd.s32 $0x101200, s1;
	[dreg:$0x7] =	wrdreg s26;
	s25 =	simm.s32 $0x1  }
0x13: {  	v0 =	vand.u32 $0x7, v2;
	v2 =	vor.u32 $0x8, v2;
	v1 =	vmul.u32 $0x8, v1;
	s26 =	simm.s32 $0x80;
	s22 =	simm.s32 $0x1080;
	s24 =	simm.s32 $0x2080  }
.LBB2_1:
0x14: {  	s20 =	rddreg [dreg:$0x3];
	s0 =	simm.s32 $0x3  }
0x15: {  	[tilespmem:s2], [sflag:$0x3] =	stream.linear.gather [hbm4b:s20+s2], $0x80, $0x38;
	[tilespmem:$0x10080] =	vst v63  }
0x16: {  	_ =	swait.ge [sflag:s0], $0x80  }
0x17: {  	[sflag:s0] =	ssyncset.done $0x0  }
0x18: {  	[sflag:s0] =	ssyncadd.s32 $0xFFFFFF80  }
0x19: {  	v3 =	vld [tilespmem:$0x0];
	_ =	sdelay $0x4  }
0x1a: {  	v4 =	vshll.u32 v3, $0x3  }
0x1b: {  	v3 =	vand.u32 $0x7, v3;
	v4 =	vand.u32 $0xFFFFFFC0, v4  }
0x1c: {  	v3 =	vor.u32 v3, v4  }
0x1d: {  	v4 =	vperm.xlane v3, v0;
	_ =	sdelay $0x1  }
0x1e: {  	v4 =	vadd.s32 v1, v4;
	_ =	sdelay $0x4  }
0x1f: {  	[tilespmem:s26], [sflag:$0x1] =	stream.indirect_vreg.gather [hbm4b:s3+s2], $0x80, v4, vm0, $0xb8;
	[tilespmem:$0x10080] =	vst v63  }
0x20: {  	v3 =	vperm.xlane v3, v2  }
0x21: {  	[tilespmem:s21], [sflag:$0x1] =	stream.indirect_vreg.gather [hbm4b:s4+s2], $0x80, v4, vm0, $0xb8;
	[tilespmem:$0x10080] =	vst v63  }
0x22: {  	v3 =	vadd.s32 v1, v3  }
0x23: {  	[tilespmem:s22], [sflag:$0x1] =	stream.indirect_vreg.gather [hbm4b:s5+s2], $0x80, v4, vm0, $0xb8;
	[tilespmem:$0x10080] =	vst v63  }
0x24: {  	_ = 	snop  }
0x25: {  	[tilespmem:s23], [sflag:$0x1] =	stream.indirect_vreg.gather [hbm4b:s6+s2], $0x80, v4, vm0, $0xb8;
	[tilespmem:$0x10080] =	vst v63  }
0x26: {  	_ = 	snop  }
0x27: {  	[tilespmem:s24], [sflag:$0x1] =	stream.indirect_vreg.gather [hbm4b:s3+s2], $0x80, v3, vm0, $0xb8;
	[tilespmem:$0x10080] =	vst v63  }
0x28: {  	_ = 	snop  }
0x29: {  	[tilespmem:s28], [sflag:$0x1] =	stream.indirect_vreg.gather [hbm4b:s4+s2], $0x80, v3, vm0, $0xb8;
	[tilespmem:$0x10080] =	vst v63  }
0x2a: {  	_ = 	snop  }
0x2b: {  	[tilespmem:s29], [sflag:$0x1] =	stream.indirect_vreg.gather [hbm4b:s5+s2], $0x80, v3, vm0, $0xb8;
	[tilespmem:$0x10080] =	vst v63  }
0x2c: {  	_ = 	snop  }
0x2d: {  	[tilespmem:s30], [sflag:$0x1] =	stream.indirect_vreg.gather [hbm4b:s6+s2], $0x80, v3, vm0, $0xb8;
	[tilespmem:$0x10080] =	vst v63  }
0x2e: {  	v3 =	vld [tilespmem:$0x10];
	_ =	sdelay $0x4  }
0x2f: {  	v57 =	vshll.u32 v3, $0x3  }
0x30: {  	v3 =	vand.u32 $0x7, v3;
	v4 =	vand.u32 $0xFFFFFFC0, v57  }
0x31: {  	v3 =	vor.u32 v3, v4  }
0x32: {  	v4 =	vperm.xlane v3, v0;
	_ =	sdelay $0x1  }
0x33: {  	v4 =	vadd.s32 v1, v4;
	_ =	sdelay $0x4  }
0x34: {  	[tilespmem:s31], [sflag:$0x1] =	stream.indirect_vreg.gather [hbm4b:s3+s2], $0x80, v4, vm0, $0xb8;
	[tilespmem:$0x10080] =	vst v63  }
0x35: {  	v3 =	vperm.xlane v3, v2  }
0x36: {  	[tilespmem:s8], [sflag:$0x1] =	stream.indirect_vreg.gather [hbm4b:s4+s2], $0x80, v4, vm0, $0xb8;
	[tilespmem:$0x10080] =	vst v63  }
0x37: {  	s1 =	simm.s32 $0x5080;
	v3 =	vadd.s32 v1, v3  }
0x38: {  	[tilespmem:s1], [sflag:$0x1] =	stream.indirect_vreg.gather [hbm4b:s5+s2], $0x80, v4, vm0, $0xb8;
	[tilespmem:$0x10080] =	vst v63  }
0x39: {  	_ = 	snop  }
0x3a: {  	[tilespmem:s10], [sflag:$0x1] =	stream.indirect_vreg.gather [hbm4b:s6+s2], $0x80, v4, vm0, $0xb8;
	[tilespmem:$0x10080] =	vst v63  }
0x3b: {  	_ = 	snop  }
0x3c: {  	[tilespmem:s11], [sflag:$0x1] =	stream.indirect_vreg.gather [hbm4b:s3+s2], $0x80, v3, vm0, $0xb8;
	[tilespmem:$0x10080] =	vst v63  }
0x3d: {  	_ = 	snop  }
0x3e: {  	[tilespmem:s12], [sflag:$0x1] =	stream.indirect_vreg.gather [hbm4b:s4+s2], $0x80, v3, vm0, $0xb8;
	[tilespmem:$0x10080] =	vst v63  }
0x3f: {  	_ = 	snop  }
0x40: {  	[tilespmem:s13], [sflag:$0x1] =	stream.indirect_vreg.gather [hbm4b:s5+s2], $0x80, v3, vm0, $0xb8;
	[tilespmem:$0x10080] =	vst v63  }
0x41: {  	_ = 	snop  }
0x42: {  	[tilespmem:s14], [sflag:$0x1] =	stream.indirect_vreg.gather [hbm4b:s6+s2], $0x80, v3, vm0, $0xb8;
	[tilespmem:$0x10080] =	vst v63  }
0x43: {  	_ =	swait.ge [sflag:s25], $0x8000  }
0x44: {  	[sflag:s25] =	ssyncset.done $0x0  }
0x45: {  	[sflag:s25] =	ssyncadd.s32 $0xFFFF8000  }
0x46: {  	v3 =	vld [tilespmem:$0x20];
	_ =	sdelay $0x4  }
0x47: {  	v58 =	vshll.u32 v3, $0x3  }
0x48: {  	v3 =	vand.u32 $0x7, v3;
	v4 =	vand.u32 $0xFFFFFFC0, v58  }
0x49: {  	v3 =	vor.u32 v3, v4  }
0x4a: {  	v4 =	vperm.xlane v3, v0;
	_ =	sdelay $0x1  }
0x4b: {  	v4 =	vadd.s32 v1, v4;
	_ =	sdelay $0x3  }
0x4c: {  	s0 =	simm.s32 $0x8080  }
0x4d: {  	[tilespmem:s0], [sflag:$0x1] =	stream.indirect_vreg.gather [hbm4b:s3+s2], $0x80, v4, vm0, $0xb8;
	[tilespmem:$0x10080] =	vst v63  }
0x4e: {  	v3 =	vperm.xlane v3, v2  }
0x4f: {  	[tilespmem:s15], [sflag:$0x1] =	stream.indirect_vreg.gather [hbm4b:s4+s2], $0x80, v4, vm0, $0xb8;
	[tilespmem:$0x10080] =	vst v63  }
0x50: {  	v3 =	vadd.s32 v1, v3  }
0x51: {  	[tilespmem:s16], [sflag:$0x1] =	stream.indirect_vreg.gather [hbm4b:s5+s2], $0x80, v4, vm0, $0xb8;
	[tilespmem:$0x10080] =	vst v63  }
0x52: {  	_ = 	snop  }
0x53: {  	[tilespmem:s17], [sflag:$0x1] =	stream.indirect_vreg.gather [hbm4b:s6+s2], $0x80, v4, vm0, $0xb8;
	[tilespmem:$0x10080] =	vst v63  }
0x54: {  	_ = 	snop  }
0x55: {  	[tilespmem:s18], [sflag:$0x1] =	stream.indirect_vreg.gather [hbm4b:s3+s2], $0x80, v3, vm0, $0xb8;
	[tilespmem:$0x10080] =	vst v63  }
0x56: {  	s9 =	simm.s32 $0xA880  }
0x57: {  	[tilespmem:s9], [sflag:$0x1] =	stream.indirect_vreg.gather [hbm4b:s4+s2], $0x80, v3, vm0, $0xb8;
	[tilespmem:$0x10080] =	vst v63  }
0x58: {  	s20 =	simm.s32 $0xB080  }
0x59: {  	[tilespmem:s20], [sflag:$0x1] =	stream.indirect_vreg.gather [hbm4b:s5+s2], $0x80, v3, vm0, $0xb8;
	[tilespmem:$0x10080] =	vst v63  }
0x5a: {  	s9 =	simm.s32 $0xB880  }
0x5b: {  	[tilespmem:s9], [sflag:$0x1] =	stream.indirect_vreg.gather [hbm4b:s6+s2], $0x80, v3, vm0, $0xb8;
	[tilespmem:$0x10080] =	vst v63  }
0x5c: {  	v3 =	vld [tilespmem:$0x30];
	_ =	sdelay $0x4  }
0x5d: {  	v59 =	vshll.u32 v3, $0x3  }
0x5e: {  	v3 =	vand.u32 $0x7, v3;
	v4 =	vand.u32 $0xFFFFFFC0, v59  }
0x5f: {  	v3 =	vor.u32 v3, v4  }
0x60: {  	v4 =	vperm.xlane v3, v0;
	_ =	sdelay $0x1  }
0x61: {  	v4 =	vadd.s32 v1, v4;
	_ =	sdelay $0x3  }
0x62: {  	s9 =	simm.s32 $0xC080  }
0x63: {  	[tilespmem:s9], [sflag:$0x1] =	stream.indirect_vreg.gather [hbm4b:s3+s2], $0x80, v4, vm0, $0xb8;
	[tilespmem:$0x10080] =	vst v63  }
0x64: {  	v3 =	vperm.xlane v3, v2;
	s9 =	simm.s32 $0xC880  }
0x65: {  	[tilespmem:s9], [sflag:$0x1] =	stream.indirect_vreg.gather [hbm4b:s4+s2], $0x80, v4, vm0, $0xb8;
	[tilespmem:$0x10080] =	vst v63  }
0x66: {  	v3 =	vadd.s32 v1, v3;
	s9 =	simm.s32 $0xD080  }
0x67: {  	[tilespmem:s9], [sflag:$0x1] =	stream.indirect_vreg.gather [hbm4b:s5+s2], $0x80, v4, vm0, $0xb8;
	[tilespmem:$0x10080] =	vst v63  }
0x68: {  	s9 =	simm.s32 $0xD880  }
0x69: {  	[tilespmem:s9], [sflag:$0x1] =	stream.indirect_vreg.gather [hbm4b:s6+s2], $0x80, v4, vm0, $0xb8;
	[tilespmem:$0x10080] =	vst v63  }
0x6a: {  	s9 =	simm.s32 $0xE080  }
0x6b: {  	[tilespmem:s9], [sflag:$0x1] =	stream.indirect_vreg.gather [hbm4b:s3+s2], $0x80, v3, vm0, $0xb8;
	[tilespmem:$0x10080] =	vst v63  }
0x6c: {  	s9 =	simm.s32 $0xE880  }
0x6d: {  	[tilespmem:s9], [sflag:$0x1] =	stream.indirect_vreg.gather [hbm4b:s4+s2], $0x80, v3, vm0, $0xb8;
	[tilespmem:$0x10080] =	vst v63  }
0x6e: {  	s9 =	simm.s32 $0xF080  }
0x6f: {  	[tilespmem:s9], [sflag:$0x1] =	stream.indirect_vreg.gather [hbm4b:s5+s2], $0x80, v3, vm0, $0xb8;
	[tilespmem:$0x10080] =	vst v63  }
0x70: {  	s9 =	simm.s32 $0xF880  }
0x71: {  	[tilespmem:s9], [sflag:$0x1] =	stream.indirect_vreg.gather [hbm4b:s6+s2], $0x80, v3, vm0, $0xb8;
	[tilespmem:$0x10080] =	vst v63  }
0x72: {  	s20 =	rddreg [dreg:$0x4]  }
0x73: {  	[hbm4b:s20+s2] =	stream.linear.scatter [tilespmem:s26], [sflag:$0x2], $0x8000, $0x38;
	[tilespmem:$0x10080] =	vst v63  }
0x74: {  	_ =	swait.ge [sflag:s25], $0x8000  }
0x75: {  	[sflag:s25] =	ssyncset.done $0x0  }
0x76: {  	[sflag:s25] =	ssyncadd.s32 $0xFFFF8000  }
0x77: {  	_ =	swait.ge [sflag:s19], $0x8000  }
0x78: {  	[sflag:s19] =	ssyncset.done $0x0  }
0x79: {  	[sflag:s19] =	ssyncadd.s32 $0xFFFF8000  }
0x7a: {  	v3 =	vld [tilespmem:$0x40];
	_ =	sdelay $0x4  }
0x7b: {  	v60 =	vshll.u32 v3, $0x3  }
0x7c: {  	v3 =	vand.u32 $0x7, v3;
	v4 =	vand.u32 $0xFFFFFFC0, v60  }
0x7d: {  	v3 =	vor.u32 v3, v4  }
0x7e: {  	v4 =	vperm.xlane v3, v0;
	_ =	sdelay $0x1  }
0x7f: {  	v4 =	vadd.s32 v1, v4;
	_ =	sdelay $0x4  }
0x80: {  	[tilespmem:s26], [sflag:$0x1] =	stream.indirect_vreg.gather [hbm4b:s3+s2], $0x80, v4, vm0, $0xb8;
	[tilespmem:$0x10080] =	vst v63  }
0x81: {  	v3 =	vperm.xlane v3, v2  }
0x82: {  	[tilespmem:s21], [sflag:$0x1] =	stream.indirect_vreg.gather [hbm4b:s4+s2], $0x80, v4, vm0, $0xb8;
	[tilespmem:$0x10080] =	vst v63  }
0x83: {  	v3 =	vadd.s32 v1, v3  }
0x84: {  	[tilespmem:s22], [sflag:$0x1] =	stream.indirect_vreg.gather [hbm4b:s5+s2], $0x80, v4, vm0, $0xb8;
	[tilespmem:$0x10080] =	vst v63  }
0x85: {  	_ = 	snop  }
0x86: {  	[tilespmem:s23], [sflag:$0x1] =	stream.indirect_vreg.gather [hbm4b:s6+s2], $0x80, v4, vm0, $0xb8;
	[tilespmem:$0x10080] =	vst v63  }
0x87: {  	_ = 	snop  }
0x88: {  	[tilespmem:s24], [sflag:$0x1] =	stream.indirect_vreg.gather [hbm4b:s3+s2], $0x80, v3, vm0, $0xb8;
	[tilespmem:$0x10080] =	vst v63  }
0x89: {  	_ = 	snop  }
0x8a: {  	[tilespmem:s28], [sflag:$0x1] =	stream.indirect_vreg.gather [hbm4b:s4+s2], $0x80, v3, vm0, $0xb8;
	[tilespmem:$0x10080] =	vst v63  }
0x8b: {  	_ = 	snop  }
0x8c: {  	[tilespmem:s29], [sflag:$0x1] =	stream.indirect_vreg.gather [hbm4b:s5+s2], $0x80, v3, vm0, $0xb8;
	[tilespmem:$0x10080] =	vst v63  }
0x8d: {  	_ = 	snop  }
0x8e: {  	[tilespmem:s30], [sflag:$0x1] =	stream.indirect_vreg.gather [hbm4b:s6+s2], $0x80, v3, vm0, $0xb8;
	[tilespmem:$0x10080] =	vst v63  }
0x8f: {  	v3 =	vld [tilespmem:$0x50];
	_ =	sdelay $0x4  }
0x90: {  	v61 =	vshll.u32 v3, $0x3  }
0x91: {  	v3 =	vand.u32 $0x7, v3;
	v4 =	vand.u32 $0xFFFFFFC0, v61  }
0x92: {  	v3 =	vor.u32 v3, v4  }
0x93: {  	v4 =	vperm.xlane v3, v0;
	_ =	sdelay $0x1  }
0x94: {  	v4 =	vadd.s32 v1, v4;
	_ =	sdelay $0x4  }
0x95: {  	[tilespmem:s31], [sflag:$0x1] =	stream.indirect_vreg.gather [hbm4b:s3+s2], $0x80, v4, vm0, $0xb8;
	[tilespmem:$0x10080] =	vst v63  }
0x96: {  	v3 =	vperm.xlane v3, v2  }
0x97: {  	[tilespmem:s8], [sflag:$0x1] =	stream.indirect_vreg.gather [hbm4b:s4+s2], $0x80, v4, vm0, $0xb8;
	[tilespmem:$0x10080] =	vst v63  }
0x98: {  	v3 =	vadd.s32 v1, v3  }
0x99: {  	[tilespmem:s1], [sflag:$0x1] =	stream.indirect_vreg.gather [hbm4b:s5+s2], $0x80, v4, vm0, $0xb8;
	[tilespmem:$0x10080] =	vst v63  }
0x9a: {  	_ = 	snop  }
0x9b: {  	[tilespmem:s10], [sflag:$0x1] =	stream.indirect_vreg.gather [hbm4b:s6+s2], $0x80, v4, vm0, $0xb8;
	[tilespmem:$0x10080] =	vst v63  }
0x9c: {  	_ = 	snop  }
0x9d: {  	[tilespmem:s11], [sflag:$0x1] =	stream.indirect_vreg.gather [hbm4b:s3+s2], $0x80, v3, vm0, $0xb8;
	[tilespmem:$0x10080] =	vst v63  }
0x9e: {  	_ = 	snop  }
0x9f: {  	[tilespmem:s12], [sflag:$0x1] =	stream.indirect_vreg.gather [hbm4b:s4+s2], $0x80, v3, vm0, $0xb8;
	[tilespmem:$0x10080] =	vst v63  }
0xa0: {  	_ = 	snop  }
0xa1: {  	[tilespmem:s13], [sflag:$0x1] =	stream.indirect_vreg.gather [hbm4b:s5+s2], $0x80, v3, vm0, $0xb8;
	[tilespmem:$0x10080] =	vst v63  }
0xa2: {  	_ = 	snop  }
0xa3: {  	[tilespmem:s14], [sflag:$0x1] =	stream.indirect_vreg.gather [hbm4b:s6+s2], $0x80, v3, vm0, $0xb8;
	[tilespmem:$0x10080] =	vst v63  }
0xa4: {  	s1 =	rddreg [dreg:$0x5]  }
0xa5: {  	[hbm4b:s1+s2] =	stream.linear.scatter [tilespmem:s0], [sflag:$0x2], $0x8000, $0x38;
	[tilespmem:$0x10080] =	vst v63  }
0xa6: {  	_ =	swait.ge [sflag:s25], $0x8000  }
0xa7: {  	[sflag:s25] =	ssyncset.done $0x0  }
0xa8: {  	[sflag:s25] =	ssyncadd.s32 $0xFFFF8000  }
0xa9: {  	_ =	swait.ge [sflag:s19], $0x8000  }
0xaa: {  	[sflag:s19] =	ssyncset.done $0x0  }
0xab: {  	[sflag:s19] =	ssyncadd.s32 $0xFFFF8000  }
0xac: {  	v3 =	vld [tilespmem:$0x60];
	_ =	sdelay $0x4  }
0xad: {  	v62 =	vshll.u32 v3, $0x3  }
0xae: {  	v3 =	vand.u32 $0x7, v3;
	v4 =	vand.u32 $0xFFFFFFC0, v62  }
0xaf: {  	v3 =	vor.u32 v3, v4  }
0xb0: {  	v4 =	vperm.xlane v3, v0;
	_ =	sdelay $0x1  }
0xb1: {  	v4 =	vadd.s32 v1, v4;
	_ =	sdelay $0x4  }
0xb2: {  	[tilespmem:s0], [sflag:$0x1] =	stream.indirect_vreg.gather [hbm4b:s3+s2], $0x80, v4, vm0, $0xb8;
	[tilespmem:$0x10080] =	vst v63  }
0xb3: {  	v3 =	vperm.xlane v3, v2  }
0xb4: {  	[tilespmem:s15], [sflag:$0x1] =	stream.indirect_vreg.gather [hbm4b:s4+s2], $0x80, v4, vm0, $0xb8;
	[tilespmem:$0x10080] =	vst v63  }
0xb5: {  	v3 =	vadd.s32 v1, v3  }
0xb6: {  	[tilespmem:s16], [sflag:$0x1] =	stream.indirect_vreg.gather [hbm4b:s5+s2], $0x80, v4, vm0, $0xb8;
	[tilespmem:$0x10080] =	vst v63  }
0xb7: {  	_ = 	snop  }
0xb8: {  	[tilespmem:s17], [sflag:$0x1] =	stream.indirect_vreg.gather [hbm4b:s6+s2], $0x80, v4, vm0, $0xb8;
	[tilespmem:$0x10080] =	vst v63  }
0xb9: {  	_ = 	snop  }
0xba: {  	[tilespmem:s18], [sflag:$0x1] =	stream.indirect_vreg.gather [hbm4b:s3+s2], $0x80, v3, vm0, $0xb8;
	[tilespmem:$0x10080] =	vst v63  }
0xbb: {  	s20 =	simm.s32 $0xA880  }
0xbc: {  	[tilespmem:s20], [sflag:$0x1] =	stream.indirect_vreg.gather [hbm4b:s4+s2], $0x80, v3, vm0, $0xb8;
	[tilespmem:$0x10080] =	vst v63  }
0xbd: {  	s20 =	simm.s32 $0xB080  }
0xbe: {  	[tilespmem:s20], [sflag:$0x1] =	stream.indirect_vreg.gather [hbm4b:s5+s2], $0x80, v3, vm0, $0xb8;
	[tilespmem:$0x10080] =	vst v63  }
0xbf: {  	s20 =	simm.s32 $0xB880  }
0xc0: {  	[tilespmem:s20], [sflag:$0x1] =	stream.indirect_vreg.gather [hbm4b:s6+s2], $0x80, v3, vm0, $0xb8;
	[tilespmem:$0x10080] =	vst v63  }
0xc1: {  	v3 =	vld [tilespmem:$0x70];
	_ =	sdelay $0x4  }
0xc2: {  	v63 =	vshll.u32 v3, $0x3  }
0xc3: {  	v3 =	vand.u32 $0x7, v3;
	v4 =	vand.u32 $0xFFFFFFC0, v63  }
0xc4: {  	v3 =	vor.u32 v3, v4  }
0xc5: {  	v4 =	vperm.xlane v3, v0;
	_ =	sdelay $0x1  }
0xc6: {  	v4 =	vadd.s32 v1, v4;
	_ =	sdelay $0x3  }
0xc7: {  	s20 =	simm.s32 $0xC080  }
0xc8: {  	[tilespmem:s20], [sflag:$0x1] =	stream.indirect_vreg.gather [hbm4b:s3+s2], $0x80, v4, vm0, $0xb8;
	[tilespmem:$0x10080] =	vst v63  }
0xc9: {  	v3 =	vperm.xlane v3, v2;
	s20 =	simm.s32 $0xC880  }
0xca: {  	[tilespmem:s20], [sflag:$0x1] =	stream.indirect_vreg.gather [hbm4b:s4+s2], $0x80, v4, vm0, $0xb8;
	[tilespmem:$0x10080] =	vst v63  }
0xcb: {  	v3 =	vadd.s32 v1, v3;
	s20 =	simm.s32 $0xD080  }
0xcc: {  	[tilespmem:s20], [sflag:$0x1] =	stream.indirect_vreg.gather [hbm4b:s5+s2], $0x80, v4, vm0, $0xb8;
	[tilespmem:$0x10080] =	vst v63  }
0xcd: {  	s20 =	simm.s32 $0xD880  }
0xce: {  	[tilespmem:s20], [sflag:$0x1] =	stream.indirect_vreg.gather [hbm4b:s6+s2], $0x80, v4, vm0, $0xb8;
	[tilespmem:$0x10080] =	vst v63  }
0xcf: {  	s20 =	simm.s32 $0xE080  }
0xd0: {  	[tilespmem:s20], [sflag:$0x1] =	stream.indirect_vreg.gather [hbm4b:s3+s2], $0x80, v3, vm0, $0xb8;
	[tilespmem:$0x10080] =	vst v63  }
0xd1: {  	s20 =	simm.s32 $0xE880  }
0xd2: {  	[tilespmem:s20], [sflag:$0x1] =	stream.indirect_vreg.gather [hbm4b:s4+s2], $0x80, v3, vm0, $0xb8;
	[tilespmem:$0x10080] =	vst v63  }
0xd3: {  	s20 =	simm.s32 $0xF080  }
0xd4: {  	[tilespmem:s20], [sflag:$0x1] =	stream.indirect_vreg.gather [hbm4b:s5+s2], $0x80, v3, vm0, $0xb8;
	[tilespmem:$0x10080] =	vst v63  }
0xd5: {  	s9 =	simm.s32 $0xF880  }
0xd6: {  	[tilespmem:s9], [sflag:$0x1] =	stream.indirect_vreg.gather [hbm4b:s6+s2], $0x80, v3, vm0, $0xb8;
	[tilespmem:$0x10080] =	vst v63  }
0xd7: {  	s1 =	rddreg [dreg:$0x6]  }
0xd8: {  	[hbm4b:s1+s2] =	stream.linear.scatter [tilespmem:s26], [sflag:$0x2], $0x8000, $0x38;
	[tilespmem:$0x10080] =	vst v63  }
0xd9: {  	_ =	swait.ge [sflag:s25], $0x8000  }
0xda: {  	[sflag:s25] =	ssyncset.done $0x0  }
0xdb: {  	s9 =	rddreg [dreg:$0x7];
	[sflag:s25] =	ssyncadd.s32 $0xFFFF8000  }
0xdc: {  	[hbm4b:s9+s2] =	stream.linear.scatter [tilespmem:s0], [sflag:$0x2], $0x8000, $0x38;
	[tilespmem:$0x10080] =	vst v63  }
0xdd: {  	p0 =	sne.s32 s7, $0x1;
	_ =	swait.ge [sflag:s19], $0x8000  }
.Ltmp0:
0xde: {  	[sflag:s19] =	ssyncset.done $0x0;
	(pc) =	sbr.rel @p0 .LBB2_1-.Ltmp0, $4  }
0xdf: {  	[sflag:s19] =	ssyncadd.s32 $0xFFFF8000  }
0xe0: {  	_ =	swait.ge [sflag:s19], $0x8000  }
0xe1: {  	[sflag:s19] =	ssyncset.done $0x0  }
0xe2: {  	s7 =	sadd.s32 $0xFFFFFFFF, s7;
	[sflag:s19] =	ssyncadd.s32 $0xFFFF8000  }
0xe3: {  	_ =	sfence.sel $0x180000  }
0xe4: {  	[bflag:$0x0] =	sbarrier.arrive $0xFFFF  }
0xe5: {  	_ =	strace $0x9000004A  }
0xe6: {  	s0 =	stileid.u32;
	[bflag:$0x2] =	sbarrier.arrive $0xFFFF  }
0xe7: {  	p0 =	sne.s32 s0, $0x0;
	s0 =	rddreg [dreg:$0x2]  }
0xe8: {  	s0 =	sadd.s32 @!p0 $0x100000, s0  }
0xe9: {  	[sflag:s0] =	ssyncadd.tile.s32 @!p0 $0x1;
	_ =	shalt  }
.Lfunc_end2:
_tile_overlayer_lowered:
.L_overlay_start_2:
0xea: {  	(tag) =	ssettag $0x2  }
0xeb: {  	s0 =	rddreg [dreg:$0x0];
	s2 =	stileid.u32  }
0xec: {  	s1 =	rddreg [dreg:$0x1];
	p0 =	sne.s32 s2, $0x0  }
0xed: {  	s3 =	rddreg [dreg:$0x2];
	[bflag:$0x3] =	sbarrier.arrive $0xFFFF;
	s2 =	simm.s32 @!p0 $0x1C03  }
0xee: {  	[timem:s3], [sflag:s2] =	dma.local @!p0 [hbm:s0], s1  }
0xef: {  	s0 =	simm.s32 @!p0 $0x3  }
0xf0: {  	_ =	swait.ge @!p0 [sflag:s0], s1  }
0xf1: {  	s1 =	ssub.s32 @!p0 $0x0, s1;
	[sflag:s0] =	ssyncset.done @!p0 $0x0  }
0xf2: {  	[sflag:s0] =	ssyncadd.s32 @!p0 s1  }
0xf3: {  	[bflag:$0x3] =	sbarrier.arrive $0xFFFF  }
0xf4: {  	_ =	shalt  }

// kernel: kernel.7.cloned.1.call-start
scs
__scs_entry_jumppad:
0x0: {  	(pc) =	sbr.rel $0x88, $3  }
0x1: {  	(tag) =	ssettag $0x0;
	lr =	simm.s32 $0x1  }
0x2: {  	[smem:$0x3F9B] =	sst lr;
	_ =	strace $0xD0000000  }
0x3: {  	_ = 	snop  }
0x4: {  	_ = 	snop  }
0x5: {  	_ = 	snop  }
0x6: {  	_ = 	snop  }
0x7: {  	_ = 	snop  }
__scs_overlays_trampoline_lowered:
0x8: {  	[smem:$0x3FAA] =	sst s0  }
0x9: {  	[smem:$0x3FAB] =	sst s1  }
0xa: {  	[smem:$0x3FAC] =	sst s2  }
0xb: {  	[smem:$0x3FAD] =	sst s3  }
0xc: {  	[smem:$0x3FAE] =	sst s4  }
0xd: {  	[smem:$0x3FAF] =	sst s5  }
0xe: {  	[smem:$0x3FB0] =	sst s6  }
0xf: {  	[smem:$0x3FB1] =	sst s7  }
0x10: {  	[smem:$0x3FB2] =	sst s8  }
0x11: {  	[smem:$0x3FB3] =	sst s9;
	s0 =	simm.s32 @!p0 $0x0  }
0x12: {  	s1 =	sld [smem:$0x3F99];
	s0 =	simm.s32 @p0 $0x1  }
0x13: {  	[smem:$0x3FB4] =	sst s0;
	s0 =	simm.s32 @!p1 $0x0  }
0x14: {  	s2 =	sld [smem:$0x3F98];
	s0 =	simm.s32 @p1 $0x1  }
0x15: {  	[smem:$0x3FB5] =	sst s0;
	s0 =	simm.s32 @!p2 $0x0  }
0x16: {  	s3 =	sld [smem:$0x3FDB];
	s0 =	simm.s32 @p2 $0x1  }
0x17: {  	s4 =	simm.s32 $0x1BF5;
	[smem:$0x3FB7] =	sst s0  }
0x18: {  	s0 =	sld [smem:$0x3F9A];
	_ =	swait.ge [sflag:s4], $0x0  }
0x19: {  	s7 =	sld [smem:$0x3F9B]  }
0x1a: {  	s8 =	sadd.s32 $0xFFFFE003, lr  }
0x1b: {  	s9 =	sadd.s32 $0xFFFFFEF7, lr;
	s5 =	simm.s32 $0xFFFFFFFF;
	p2 =	slt.u32 s8, $0xFFFFF086  }
0x1c: {  	p1 =	slt.u32 s9, $0xF7A;
	s5 =	simm.s32 @!p2 $0x0  }
0x1d: {  	s5 =	simm.s32 @p1 $0x1;
	p0 =	seq.s32 s7, s2  }
0x1e: {  	s7 =	smul.u32 @!p0 $0xF7A, s2;
	p2 =	seq.s32 @!p0 s5, $0x0  }
0x1f: {  	s9 =	smul.u32 $0xF7A, s1;
	s8 =	simm.s32 @!p0 $0x1BF5;
	p2 =	por !p2, p0  }
0x20: {  	[sflag:s8] =	ssyncset.s32 @!p0 $0xFFFFF086;
	s6 =	sadd.s32 @!p0 s3, s7;
	s7 =	simm.s32 @!p0 $0x108  }
0x21: {  	s3 =	sadd.s32 s3, s9;
	s6 =	sadd.s32 @!p0 $0x88, s6;
	s7 =	simm.s32 @p2 $0x1082  }
0x22: {  	[simem:s7], [sflag:s8] =	dma.local @!p0 [hbm:s6], $0xF7A  }
0x23: {  	s9 =	sor.u32 $0xD0000000, s2;
	s6 =	simm.s32 $0x108;
	_ =	swait.ge @!p0 [sflag:s8], $0x0  }
0x24: {  	s3 =	sadd.s32 $0x88, s3;
	s6 =	simm.s32 @!p1 $0x1082;
	[sflag:s4] =	ssyncset.s32 $0xFFFFF086  }
0x25: {  	[simem:s6], [sflag:s4] =	dma.local [hbm:s3], $0xF7A  }
0x26: {  	[smem:$0x3F9B] =	sst s1;
	(tag) =	ssettag s2;
	_ =	strace s9  }
0x27: {  	s1 =	sld [smem:$0x3FAB]  }
0x28: {  	s2 =	sld [smem:$0x3FAC]  }
0x29: {  	s4 =	sld [smem:$0x3FAE]  }
0x2a: {  	p0 =	seq.s32 s5, $0x0;
	s5 =	sld [smem:$0x3FAF]  }
0x2b: {  	s6 =	sld [smem:$0x3FB0]  }
0x2c: {  	s7 =	sld [smem:$0x3FB1]  }
0x2d: {  	s3 =	simm.s32 $0x108;
	s8 =	sld [smem:$0x3FB2]  }
0x2e: {  	s3 =	simm.s32 @!p0 $0x1082;
	s9 =	sld [smem:$0x3FB3]  }
0x2f: {  	lr =	sadd.s32 s0, s3;
	s0 =	sld [smem:$0x3FAA]  }
0x30: {  	s3 =	sld [smem:$0x3FAD]  }
0x31: {  	[smem:$0x3FB6] =	sst s10  }
0x32: {  	s10 =	sld [smem:$0x3FB4];
	_ =	sdelay $0x3  }
0x33: {  	p0 =	seq.s32 s10, $0x1;
	s10 =	sld [smem:$0x3FB6];
	_ =	sdelay $0x3  }
0x34: {  	[smem:$0x3FB6] =	sst s10  }
0x35: {  	s10 =	sld [smem:$0x3FB5];
	_ =	sdelay $0x3  }
0x36: {  	p1 =	seq.s32 s10, $0x1;
	s10 =	sld [smem:$0x3FB6];
	_ =	sdelay $0x3  }
0x37: {  	[smem:$0x3FB6] =	sst s10  }
0x38: {  	s10 =	sld [smem:$0x3FB7]  }
0x39: {  	_ = 	snop;
	(pc) =	sbr.ind lr, $3  }
0x3a: {  	_ = 	snop  }
0x3b: {  	_ = 	snop  }
0x3c: {  	p2 =	seq.s32 s10, $0x1;
	s10 =	sld [smem:$0x3FB6]  }
0x3d: {  	_ =	shalt  }
0x3e: {  	_ =	shalt  }
0x3f: {  	_ =	shalt  }
0x40: {  	_ =	shalt  }
0x41: {  	_ =	shalt  }
0x42: {  	_ =	shalt  }
0x43: {  	_ =	shalt  }
0x44: {  	_ =	shalt  }
0x45: {  	_ =	shalt  }
0x46: {  	_ =	shalt  }
0x47: {  	_ =	shalt  }
0x48: {  	_ =	shalt  }
0x49: {  	_ =	shalt  }
0x4a: {  	_ =	shalt  }
0x4b: {  	_ =	shalt  }
0x4c: {  	_ =	shalt  }
0x4d: {  	_ =	shalt  }
0x4e: {  	_ =	shalt  }
0x4f: {  	_ =	shalt  }
0x50: {  	_ =	shalt  }
0x51: {  	_ =	shalt  }
0x52: {  	_ =	shalt  }
0x53: {  	_ =	shalt  }
0x54: {  	_ =	shalt  }
0x55: {  	_ =	shalt  }
0x56: {  	_ =	shalt  }
0x57: {  	_ =	shalt  }
0x58: {  	_ =	shalt  }
0x59: {  	_ =	shalt  }
0x5a: {  	_ =	shalt  }
0x5b: {  	_ =	shalt  }
0x5c: {  	_ =	shalt  }
0x5d: {  	_ =	shalt  }
0x5e: {  	_ =	shalt  }
0x5f: {  	_ =	shalt  }
0x60: {  	_ =	shalt  }
0x61: {  	_ =	shalt  }
0x62: {  	_ =	shalt  }
0x63: {  	_ =	shalt  }
0x64: {  	_ =	shalt  }
0x65: {  	_ =	shalt  }
0x66: {  	_ =	shalt  }
0x67: {  	_ =	shalt  }
0x68: {  	_ =	shalt  }
0x69: {  	_ =	shalt  }
0x6a: {  	_ =	shalt  }
0x6b: {  	_ =	shalt  }
0x6c: {  	_ =	shalt  }
0x6d: {  	_ =	shalt  }
0x6e: {  	_ =	shalt  }
0x6f: {  	_ =	shalt  }
0x70: {  	_ =	shalt  }
0x71: {  	_ =	shalt  }
0x72: {  	_ =	shalt  }
0x73: {  	_ =	shalt  }
0x74: {  	_ =	shalt  }
0x75: {  	_ =	shalt  }
0x76: {  	_ =	shalt  }
0x77: {  	_ =	shalt  }
0x78: {  	_ =	shalt  }
0x79: {  	_ =	shalt  }
0x7a: {  	_ =	shalt  }
0x7b: {  	_ =	shalt  }
0x7c: {  	_ =	shalt  }
0x7d: {  	_ =	shalt  }
0x7e: {  	_ =	shalt  }
0x7f: {  	_ =	shalt  }
0x80: {  	_ =	shalt  }
0x81: {  	_ =	shalt  }
0x82: {  	_ =	shalt  }
0x83: {  	_ =	shalt  }
0x84: {  	_ =	shalt  }
0x85: {  	_ =	shalt  }
0x86: {  	_ =	shalt  }
0x87: {  	_ =	shalt  }
.Lfunc_end0:
.L_simem_size_0:
called_computation_lowered:
.L_overlay_start_0:
0x88: {  	s2 =	sld [smem:$0x3FD9]  }
0x89: {  	s3 =	sld [smem:$0x3FFE];
	_ =	sdelay $0x1  }
0x8a: {  	s1 =	srdreg.scid  }
0x8b: {  	s0 =	sand.u32 $0x1, s1  }
0x8c: {  	s17 =	sshll.u32 s0, $0xA;
	s2 =	sadd.s32 s3, s2  }
0x8d: {  	s2 =	sadd.s32 s2, s17  }
0x8e: {  	[smem:$0x3FC2] =	sst s2  }
0x8f: {  	_ = 	snop  }
0x90: {  	s2 =	sld [smem:$0x3FC9]  }
0x91: {  	s18 =	sld [smem:$0x3FD0];
	(tm) =	ssettm $0x1  }
0x92: {  	s4 =	sld [smem:$0x3FFB];
	_ =	sdelay $0x3  }
0x93: {  	_ =	strace s4  }
0x94: {  	s4 =	sld [smem:$0x3FFC];
	_ =	sdelay $0x3  }
0x95: {  	_ =	strace s4  }
0x96: {  	s4 =	sld [smem:$0x3FFD];
	_ =	sdelay $0x3  }
0x97: {  	_ =	strace s4  }
0x98: {  	_ =	strace $0x8FFFFFFF  }
0x99: {  	s19 =	sld [smem:$0x3FDB];
	_ =	sdelay $0x1  }
0x9a: {  	s5 =	simm.s32 $_scs_section_size  }
0x9b: {  	s6 =	simm.s32 $_size__tile_overlayer_lowered;
	s7 =	simm.s32 $_tile_overlayer_lowered  }
0x9c: {  	s22 =	simm.s32 $0x1BFF;
	s21 =	sshll.u32 s7, $0x1;
	s4 =	sadd.s32 s5, s19  }
0x9d: {  	s8 =	simm.s32 $0x0;
	s20 =	sshll.u32 s6, $0x1;
	s6 =	sadd.s32 s21, s4  }
0x9e: {  	[timem:s8], [sflag:s22] =	dma.local [hbm:s6], s20  }
0x9f: {  	_ =	swait.ge [sflag:s22], s20  }
0xa0: {  	s5 =	ssub.s32 $0x0, s20;
	[sflag:s22] =	ssyncset.done $0x0  }
0xa1: {  	[sflag:s22] =	ssyncadd.s32 s5;
	_ =	sdelay $0x1  }
0xa2: {  	s23 =	simm.s32 $0x1B8B  }
0xa3: {  	_ =	swait.ge [sflag:s23], $0x1  }
0xa4: {  	[sflag:s23] =	ssyncset.done $0x0  }
0xa5: {  	s25 =	simm.s32 $0x1B8E;
	s24 =	sld [smem:$0x3FFE];
	[sflag:s23] =	ssyncadd.s32 $0xFFFFFFFF  }
0xa6: {  	s26 =	simm.s32 $execute0_lowered;
	[smem:$0x3FD2] =	sst s25  }
0xa7: {  	s6 =	sshll.u32 s26, $0x1;
	_ =	strace $0x80000046;
	[dreg:$0x1] =	wrdreg $0xFFFFFFFF  }
0xa8: {  	s28 =	simm.s32 $_size_execute0_lowered;
	s4 =	sadd.s32 s4, s6;
	[dreg:$0x0] =	wrdreg $0x0  }
0xa9: {  	s6 =	sshll.u32 s28, $0x1;
	[dreg:$0x2] =	wrdreg s4  }
0xaa: {  	[dreg:$0x3] =	wrdreg s6  }
0xab: {  	[dreg:$0x4] =	wrdreg $0xC0  }
0xac: {  	_ =	task [dreg:s8], $0x5FFFF  }
0xad: {  	[dreg:$0x1] =	wrdreg $0xFFFFFFFF  }
0xae: {  	[dreg:$0x0] =	wrdreg $0x60  }
0xaf: {  	[dreg:$0x2] =	wrdreg s18  }
0xb0: {  	[dreg:$0x3] =	wrdreg s2  }
0xb1: {  	[dreg:$0x4] =	wrdreg s24  }
0xb2: {  	[dreg:$0x5] =	wrdreg $0x9  }
0xb3: {  	_ =	task.clear_ibuf [dreg:s8], $0x6FFFF;
	_ =	strace $0x90000046  }
0xb4: {  	s29 =	simm.s32 $0x9;
	_ =	strace $0x80000048  }
0xb5: {  	_ =	swait.ge [sflag:s29], $0x1  }
0xb6: {  	[sflag:s29] =	ssyncadd.s32 $0xFFFFFFFF  }
0xb7: {  	_ =	strace $0x90000048  }
0xb8: {  	_ =	sfence  }
0xb9: {  	s30 =	sld [smem:$0x0];
	_ =	sdelay $0x2  }
0xba: {  	s31 =	sshll.u32 s1, $0xD;
	s1 =	sshrl.u32 s1, $0x2  }
0xbb: {  	s3 =	sand.u32 $0x4000, s31;
	s1 =	sadd.s32 s1, s30  }
0xbc: {  	s0 =	sor.u32 s3, s0;
	s1 =	sshll.u32 s1, $0x11  }
0xbd: {  	s0 =	sor.u32 s1, s0  }
0xbe: {  	s0 =	sadd.s32 $0x8F2B, s0  }
0xbf: {  	[sflag:s0] =	ssyncadd.remote.s32 $0x1  }
0xc0: {  	_ =	sfence.sel $0xFFFF  }
0xc1: {  	[dreg:$0x0] =	wrdreg $0xFFFFFFFF;
	(pc) =	sbr.abs _section_cstart, $3  }
0xc2: {  	[dreg:$0x1] =	wrdreg $0xFFFFFFFF  }
0xc3: {  	_ =	task.clear_ibuf [dreg:s8], $0x2FFFF;
	_ =	strace $0x9FFFFFFF  }
0xc4: {  	(tm) =	ssettm $0x7FFFFFFF  }
0xc5: {  	_ =	shalt  }
tec
execute0_lowered:
.L_overlay_start_1:
0x0: {  	(tag) =	ssettag $0x1  }
0x1: {  	s0 =	rddreg [dreg:$0x0]  }
0x2: {  	s1 =	rddreg [dreg:$0x1]  }
0x3: {  	s6 =	rddreg [dreg:$0x2]  }
0x4: {  	s2 =	simm.s32 $0x0;
	s3 =	srdreg.scid;
	s5 =	stileid.u32  }
0x5: {  	s20 =	simm.s32 $0x1180;
	s21 =	simm.s32 $0x1980;
	s22 =	simm.s32 $0x2180  }
0x6: {  	s23 =	simm.s32 $0x2980;
	s28 =	simm.s32 $0x4980;
	s29 =	simm.s32 $0x5180  }
0x7: {  	s30 =	simm.s32 $0x5980;
	s31 =	simm.s32 $0x6180;
	s10 =	simm.s32 $0x7980  }
0x8: {  	s11 =	simm.s32 $0x8180;
	s12 =	simm.s32 $0x8980;
	s13 =	simm.s32 $0x9180  }
0x9: {  	s14 =	simm.s32 $0x9980;
	s15 =	simm.s32 $0xA180;
	s16 =	simm.s32 $0xA980  }
0xa: {  	s17 =	simm.s32 $0xB180;
	s9 =	simm.s32 $0xB980;
	s18 =	simm.s32 $0xC180  }
0xb: {  	[smem:$0x7FF] =	sst s2;
	s4 =	sand.u32 $0x1, s3;
	s24 =	sshll.u32 s5, $0x1  }
0xc: {  	s3 =	sadd.s32 $0x1000, s6;
	_ =	strace $0x80000047;
	s5 =	sor.u32 s4, s24  }
0xd: {  	v10 =	vlaneseq.u32;
	s4 =	ssub.s32 $0x2, s4;
	s24 =	simm.s32 $0x3180;
	s7 =	sshll.u32 s5, $0x4  }
0xe: {  	v0 =	vmul.u32 $0x2, v10;
	s8 =	sshrl.u32 s4, $0x1;
	s5 =	sshll.u32 s5, $0xD;
	s0 =	sadd.s32 s0, s7  }
0xf: {  	vm0 =	vmmov $0xffff;
	v9 =	vshrl.u32 v10, $0x3;
	v8 =	vand.u32 $0x7, v10;
	s25 =	ssub.s32 s4, s8;
	s26 =	sadd.s32 s1, s5;
	s4 =	sadd.s32 $0x1100, s6  }
0x10: {  	v10 =	vor.u32 $0x8, v10;
	v9 =	vmul.u32 $0x8, v9;
	v1 =	vor.u32 $0x1, v0;
	s5 =	sadd.s32 $0x1200, s6;
	s6 =	sadd.s32 $0x1300, s6;
	[dreg:$0x4] =	wrdreg s0  }
0x11: {  	v2 =	vor.u32 $0x20, v0;
	v3 =	vor.u32 $0x21, v0;
	v4 =	vor.u32 $0x40, v0;
	s8 =	simm.s32 $0x180;
	s1 =	simm.s32 $0x7180;
	[dreg:$0x5] =	wrdreg s26  }
0x12: {  	v5 =	vor.u32 $0x41, v0;
	v6 =	vor.u32 $0x60, v0;
	v7 =	vor.u32 $0x61, v0;
	s7 =	smax.u32 s25, $0x1;
	s25 =	simm.s32 $0x3980;
	s26 =	simm.s32 $0x4180  }
.LBB2_1:
0x13: {  	s19 =	rddreg [dreg:$0x4];
	s0 =	simm.s32 $0x2  }
0x14: {  	[tilespmem:s2], [sflag:$0x2] =	stream.linear.gather [hbm4b:s19+s2], $0x80, $0x38;
	[tilespmem:$0x10180] =	vst v63  }
0x15: {  	_ =	swait.ge [sflag:s0], $0x80  }
0x16: {  	[sflag:s0] =	ssyncset.done $0x0  }
0x17: {  	s19 =	rddreg [dreg:$0x5];
	[sflag:s0] =	ssyncadd.s32 $0xFFFFFF80  }
0x18: {  	[tilespmem:s8], [sflag:$0x2] =	stream.linear.gather [hbm4b:s19+s2], $0x10000, $0x38;
	[tilespmem:$0x10180] =	vst v63  }
0x19: {  	_ =	swait.ge [sflag:s0], $0x10000  }
0x1a: {  	[sflag:s0] =	ssyncset.done $0x0  }
0x1b: {  	[sflag:s0] =	ssyncadd.s32 $0xFFFF0000  }
0x1c: {  	v11 =	vld.idx.msk [tilespmem:v0+s2+$0x0], $0xffff;
	_ =	sdelay $0x4  }
0x1d: {  	[tilespmem:$0x80] =	vst v11  }
0x1e: {  	v11 =	vld.idx.msk [tilespmem:v1+s2+$0x0], $0xffff;
	_ =	sdelay $0x4  }
0x1f: {  	[tilespmem:$0x100] =	vst v11  }
0x20: {  	v11 =	vld.idx.msk [tilespmem:v2+s2+$0x0], $0xffff;
	_ =	sdelay $0x4  }
0x21: {  	[tilespmem:$0x90] =	vst v11  }
0x22: {  	v11 =	vld.idx.msk [tilespmem:v3+s2+$0x0], $0xffff;
	_ =	sdelay $0x4  }
0x23: {  	[tilespmem:$0x110] =	vst v11  }
0x24: {  	v11 =	vld.idx.msk [tilespmem:v4+s2+$0x0], $0xffff;
	_ =	sdelay $0x4  }
0x25: {  	[tilespmem:$0xA0] =	vst v11  }
0x26: {  	v11 =	vld.idx.msk [tilespmem:v5+s2+$0x0], $0xffff;
	_ =	sdelay $0x2  }
0x27: {  	v12 =	vld [tilespmem:$0x80];
	_ =	sdelay $0x1  }
0x28: {  	[tilespmem:$0x120] =	vst v11  }
0x29: {  	v11 =	vld.idx.msk [tilespmem:v6+s2+$0x0], $0xffff;
	_ =	sdelay $0x1  }
0x2a: {  	v13 =	vshll.u32 v12, $0x3  }
0x2b: {  	v12 =	vand.u32 $0x7, v12;
	v13 =	vand.u32 $0xFFFFFFC0, v13  }
0x2c: {  	v12 =	vor.u32 v12, v13  }
0x2d: {  	[tilespmem:$0xB0] =	vst v11;
	v11 =	vperm.xlane v12, v8  }
0x2e: {  	v56 =	vld.idx.msk [tilespmem:v7+s2+$0x0], $0xffff  }
0x2f: {  	v11 =	vadd.s32 v9, v11;
	_ =	sdelay $0x3  }
0x30: {  	[tilespmem:$0x130] =	vst v56  }
0x31: {  	[hbm4b:s3+s2] =	stream.indirect_vreg.scatter [tilespmem:s8], [sflag:$0x1], $0x80, v11, vm0, $0xb8;
	[tilespmem:$0x10180] =	vst v63  }
0x32: {  	s19 =	simm.s32 $0x980;
	v12 =	vperm.xlane v12, v10  }
0x33: {  	[hbm4b:s4+s2] =	stream.indirect_vreg.scatter [tilespmem:s19], [sflag:$0x1], $0x80, v11, vm0, $0xb8;
	[tilespmem:$0x10180] =	vst v63  }
0x34: {  	v12 =	vadd.s32 v9, v12  }
0x35: {  	[hbm4b:s5+s2] =	stream.indirect_vreg.scatter [tilespmem:s20], [sflag:$0x1], $0x80, v11, vm0, $0xb8;
	[tilespmem:$0x10180] =	vst v63  }
0x36: {  	_ = 	snop  }
0x37: {  	[hbm4b:s6+s2] =	stream.indirect_vreg.scatter [tilespmem:s21], [sflag:$0x1], $0x80, v11, vm0, $0xb8;
	[tilespmem:$0x10180] =	vst v63  }
0x38: {  	_ = 	snop  }
0x39: {  	[hbm4b:s3+s2] =	stream.indirect_vreg.scatter [tilespmem:s22], [sflag:$0x1], $0x80, v12, vm0, $0xb8;
	[tilespmem:$0x10180] =	vst v63  }
0x3a: {  	_ = 	snop  }
0x3b: {  	[hbm4b:s4+s2] =	stream.indirect_vreg.scatter [tilespmem:s23], [sflag:$0x1], $0x80, v12, vm0, $0xb8;
	[tilespmem:$0x10180] =	vst v63  }
0x3c: {  	_ = 	snop  }
0x3d: {  	[hbm4b:s5+s2] =	stream.indirect_vreg.scatter [tilespmem:s24], [sflag:$0x1], $0x80, v12, vm0, $0xb8;
	[tilespmem:$0x10180] =	vst v63  }
0x3e: {  	_ = 	snop  }
0x3f: {  	[hbm4b:s6+s2] =	stream.indirect_vreg.scatter [tilespmem:s25], [sflag:$0x1], $0x80, v12, vm0, $0xb8;
	[tilespmem:$0x10180] =	vst v63  }
0x40: {  	v11 =	vld [tilespmem:$0x90];
	_ =	sdelay $0x4  }
0x41: {  	v57 =	vshll.u32 v11, $0x3  }
0x42: {  	v11 =	vand.u32 $0x7, v11;
	v12 =	vand.u32 $0xFFFFFFC0, v57  }
0x43: {  	v11 =	vor.u32 v11, v12  }
0x44: {  	v12 =	vperm.xlane v11, v8;
	_ =	sdelay $0x1  }
0x45: {  	v12 =	vadd.s32 v9, v12;
	_ =	sdelay $0x4  }
0x46: {  	[hbm4b:s3+s2] =	stream.indirect_vreg.scatter [tilespmem:s26], [sflag:$0x1], $0x80, v12, vm0, $0xb8;
	[tilespmem:$0x10180] =	vst v63  }
0x47: {  	v11 =	vperm.xlane v11, v10  }
0x48: {  	[hbm4b:s4+s2] =	stream.indirect_vreg.scatter [tilespmem:s28], [sflag:$0x1], $0x80, v12, vm0, $0xb8;
	[tilespmem:$0x10180] =	vst v63  }
0x49: {  	v11 =	vadd.s32 v9, v11  }
0x4a: {  	[hbm4b:s5+s2] =	stream.indirect_vreg.scatter [tilespmem:s29], [sflag:$0x1], $0x80, v12, vm0, $0xb8;
	[tilespmem:$0x10180] =	vst v63  }
0x4b: {  	_ = 	snop  }
0x4c: {  	[hbm4b:s6+s2] =	stream.indirect_vreg.scatter [tilespmem:s30], [sflag:$0x1], $0x80, v12, vm0, $0xb8;
	[tilespmem:$0x10180] =	vst v63  }
0x4d: {  	_ = 	snop  }
0x4e: {  	[hbm4b:s3+s2] =	stream.indirect_vreg.scatter [tilespmem:s31], [sflag:$0x1], $0x80, v11, vm0, $0xb8;
	[tilespmem:$0x10180] =	vst v63  }
0x4f: {  	s0 =	simm.s32 $0x6980  }
0x50: {  	[hbm4b:s4+s2] =	stream.indirect_vreg.scatter [tilespmem:s0], [sflag:$0x1], $0x80, v11, vm0, $0xb8;
	[tilespmem:$0x10180] =	vst v63  }
0x51: {  	_ = 	snop  }
0x52: {  	[hbm4b:s5+s2] =	stream.indirect_vreg.scatter [tilespmem:s1], [sflag:$0x1], $0x80, v11, vm0, $0xb8;
	[tilespmem:$0x10180] =	vst v63  }
0x53: {  	_ = 	snop  }
0x54: {  	[hbm4b:s6+s2] =	stream.indirect_vreg.scatter [tilespmem:s10], [sflag:$0x1], $0x80, v11, vm0, $0xb8;
	[tilespmem:$0x10180] =	vst v63  }
0x55: {  	v11 =	vld [tilespmem:$0xA0];
	_ =	sdelay $0x4  }
0x56: {  	v58 =	vshll.u32 v11, $0x3  }
0x57: {  	v11 =	vand.u32 $0x7, v11;
	v12 =	vand.u32 $0xFFFFFFC0, v58  }
0x58: {  	v11 =	vor.u32 v11, v12  }
0x59: {  	v12 =	vperm.xlane v11, v8;
	_ =	sdelay $0x1  }
0x5a: {  	v12 =	vadd.s32 v9, v12;
	_ =	sdelay $0x4  }
0x5b: {  	[hbm4b:s3+s2] =	stream.indirect_vreg.scatter [tilespmem:s11], [sflag:$0x1], $0x80, v12, vm0, $0xb8;
	[tilespmem:$0x10180] =	vst v63  }
0x5c: {  	v11 =	vperm.xlane v11, v10  }
0x5d: {  	[hbm4b:s4+s2] =	stream.indirect_vreg.scatter [tilespmem:s12], [sflag:$0x1], $0x80, v12, vm0, $0xb8;
	[tilespmem:$0x10180] =	vst v63  }
0x5e: {  	v11 =	vadd.s32 v9, v11  }
0x5f: {  	[hbm4b:s5+s2] =	stream.indirect_vreg.scatter [tilespmem:s13], [sflag:$0x1], $0x80, v12, vm0, $0xb8;
	[tilespmem:$0x10180] =	vst v63  }
0x60: {  	_ = 	snop  }
0x61: {  	[hbm4b:s6+s2] =	stream.indirect_vreg.scatter [tilespmem:s14], [sflag:$0x1], $0x80, v12, vm0, $0xb8;
	[tilespmem:$0x10180] =	vst v63  }
0x62: {  	_ = 	snop  }
0x63: {  	[hbm4b:s3+s2] =	stream.indirect_vreg.scatter [tilespmem:s15], [sflag:$0x1], $0x80, v11, vm0, $0xb8;
	[tilespmem:$0x10180] =	vst v63  }
0x64: {  	_ = 	snop  }
0x65: {  	[hbm4b:s4+s2] =	stream.indirect_vreg.scatter [tilespmem:s16], [sflag:$0x1], $0x80, v11, vm0, $0xb8;
	[tilespmem:$0x10180] =	vst v63  }
0x66: {  	_ = 	snop  }
0x67: {  	[hbm4b:s5+s2] =	stream.indirect_vreg.scatter [tilespmem:s17], [sflag:$0x1], $0x80, v11, vm0, $0xb8;
	[tilespmem:$0x10180] =	vst v63  }
0x68: {  	_ = 	snop  }
0x69: {  	[hbm4b:s6+s2] =	stream.indirect_vreg.scatter [tilespmem:s9], [sflag:$0x1], $0x80, v11, vm0, $0xb8;
	[tilespmem:$0x10180] =	vst v63  }
0x6a: {  	v11 =	vld [tilespmem:$0xB0];
	_ =	sdelay $0x4  }
0x6b: {  	v59 =	vshll.u32 v11, $0x3  }
0x6c: {  	v11 =	vand.u32 $0x7, v11;
	v12 =	vand.u32 $0xFFFFFFC0, v59  }
0x6d: {  	v11 =	vor.u32 v11, v12  }
0x6e: {  	v12 =	vperm.xlane v11, v8;
	_ =	sdelay $0x1  }
0x6f: {  	v12 =	vadd.s32 v9, v12;
	_ =	sdelay $0x4  }
0x70: {  	[hbm4b:s3+s2] =	stream.indirect_vreg.scatter [tilespmem:s18], [sflag:$0x1], $0x80, v12, vm0, $0xb8;
	[tilespmem:$0x10180] =	vst v63  }
0x71: {  	s0 =	simm.s32 $0xC980;
	v11 =	vperm.xlane v11, v10  }
0x72: {  	[hbm4b:s4+s2] =	stream.indirect_vreg.scatter [tilespmem:s0], [sflag:$0x1], $0x80, v12, vm0, $0xb8;
	[tilespmem:$0x10180] =	vst v63  }
0x73: {  	v11 =	vadd.s32 v9, v11;
	s0 =	simm.s32 $0xD180  }
0x74: {  	[hbm4b:s5+s2] =	stream.indirect_vreg.scatter [tilespmem:s0], [sflag:$0x1], $0x80, v12, vm0, $0xb8;
	[tilespmem:$0x10180] =	vst v63  }
0x75: {  	s0 =	simm.s32 $0xD980  }
0x76: {  	[hbm4b:s6+s2] =	stream.indirect_vreg.scatter [tilespmem:s0], [sflag:$0x1], $0x80, v12, vm0, $0xb8;
	[tilespmem:$0x10180] =	vst v63  }
0x77: {  	s0 =	simm.s32 $0xE180  }
0x78: {  	[hbm4b:s3+s2] =	stream.indirect_vreg.scatter [tilespmem:s0], [sflag:$0x1], $0x80, v11, vm0, $0xb8;
	[tilespmem:$0x10180] =	vst v63  }
0x79: {  	s0 =	simm.s32 $0xE980  }
0x7a: {  	[hbm4b:s4+s2] =	stream.indirect_vreg.scatter [tilespmem:s0], [sflag:$0x1], $0x80, v11, vm0, $0xb8;
	[tilespmem:$0x10180] =	vst v63  }
0x7b: {  	s0 =	simm.s32 $0xF180  }
0x7c: {  	[hbm4b:s5+s2] =	stream.indirect_vreg.scatter [tilespmem:s0], [sflag:$0x1], $0x80, v11, vm0, $0xb8;
	[tilespmem:$0x10180] =	vst v63  }
0x7d: {  	s0 =	simm.s32 $0xF980  }
0x7e: {  	[hbm4b:s6+s2] =	stream.indirect_vreg.scatter [tilespmem:s0], [sflag:$0x1], $0x80, v11, vm0, $0xb8;
	[tilespmem:$0x10180] =	vst v63  }
0x7f: {  	v11 =	vld [tilespmem:$0x100];
	_ =	sdelay $0x4  }
0x80: {  	v60 =	vshll.u32 v11, $0x3  }
0x81: {  	v11 =	vand.u32 $0x7, v11;
	v12 =	vand.u32 $0xFFFFFFC0, v60  }
0x82: {  	v11 =	vor.u32 v11, v12  }
0x83: {  	v12 =	vperm.xlane v11, v8;
	_ =	sdelay $0x1  }
0x84: {  	v12 =	vadd.s32 v9, v12;
	_ =	sdelay $0x4  }
0x85: {  	[hbm4b:s3+s2] =	stream.indirect_vreg.scatter [tilespmem:s8], [sflag:$0x1], $0x80, v12, vm0, $0xb8;
	[tilespmem:$0x10180] =	vst v63  }
0x86: {  	v11 =	vperm.xlane v11, v10  }
0x87: {  	[hbm4b:s4+s2] =	stream.indirect_vreg.scatter [tilespmem:s19], [sflag:$0x1], $0x80, v12, vm0, $0xb8;
	[tilespmem:$0x10180] =	vst v63  }
0x88: {  	v11 =	vadd.s32 v9, v11  }
0x89: {  	[hbm4b:s5+s2] =	stream.indirect_vreg.scatter [tilespmem:s20], [sflag:$0x1], $0x80, v12, vm0, $0xb8;
	[tilespmem:$0x10180] =	vst v63  }
0x8a: {  	_ = 	snop  }
0x8b: {  	[hbm4b:s6+s2] =	stream.indirect_vreg.scatter [tilespmem:s21], [sflag:$0x1], $0x80, v12, vm0, $0xb8;
	[tilespmem:$0x10180] =	vst v63  }
0x8c: {  	_ = 	snop  }
0x8d: {  	[hbm4b:s3+s2] =	stream.indirect_vreg.scatter [tilespmem:s22], [sflag:$0x1], $0x80, v11, vm0, $0xb8;
	[tilespmem:$0x10180] =	vst v63  }
0x8e: {  	_ = 	snop  }
0x8f: {  	[hbm4b:s4+s2] =	stream.indirect_vreg.scatter [tilespmem:s23], [sflag:$0x1], $0x80, v11, vm0, $0xb8;
	[tilespmem:$0x10180] =	vst v63  }
0x90: {  	_ = 	snop  }
0x91: {  	[hbm4b:s5+s2] =	stream.indirect_vreg.scatter [tilespmem:s24], [sflag:$0x1], $0x80, v11, vm0, $0xb8;
	[tilespmem:$0x10180] =	vst v63  }
0x92: {  	_ = 	snop  }
0x93: {  	[hbm4b:s6+s2] =	stream.indirect_vreg.scatter [tilespmem:s25], [sflag:$0x1], $0x80, v11, vm0, $0xb8;
	[tilespmem:$0x10180] =	vst v63  }
0x94: {  	v11 =	vld [tilespmem:$0x110];
	_ =	sdelay $0x4  }
0x95: {  	v61 =	vshll.u32 v11, $0x3  }
0x96: {  	v11 =	vand.u32 $0x7, v11;
	v12 =	vand.u32 $0xFFFFFFC0, v61  }
0x97: {  	v11 =	vor.u32 v11, v12  }
0x98: {  	v12 =	vperm.xlane v11, v8;
	_ =	sdelay $0x1  }
0x99: {  	v12 =	vadd.s32 v9, v12;
	_ =	sdelay $0x4  }
0x9a: {  	[hbm4b:s3+s2] =	stream.indirect_vreg.scatter [tilespmem:s26], [sflag:$0x1], $0x80, v12, vm0, $0xb8;
	[tilespmem:$0x10180] =	vst v63  }
0x9b: {  	v11 =	vperm.xlane v11, v10  }
0x9c: {  	[hbm4b:s4+s2] =	stream.indirect_vreg.scatter [tilespmem:s28], [sflag:$0x1], $0x80, v12, vm0, $0xb8;
	[tilespmem:$0x10180] =	vst v63  }
0x9d: {  	v11 =	vadd.s32 v9, v11  }
0x9e: {  	[hbm4b:s5+s2] =	stream.indirect_vreg.scatter [tilespmem:s29], [sflag:$0x1], $0x80, v12, vm0, $0xb8;
	[tilespmem:$0x10180] =	vst v63  }
0x9f: {  	_ = 	snop  }
0xa0: {  	[hbm4b:s6+s2] =	stream.indirect_vreg.scatter [tilespmem:s30], [sflag:$0x1], $0x80, v12, vm0, $0xb8;
	[tilespmem:$0x10180] =	vst v63  }
0xa1: {  	_ = 	snop  }
0xa2: {  	[hbm4b:s3+s2] =	stream.indirect_vreg.scatter [tilespmem:s31], [sflag:$0x1], $0x80, v11, vm0, $0xb8;
	[tilespmem:$0x10180] =	vst v63  }
0xa3: {  	s19 =	simm.s32 $0x6980  }
0xa4: {  	[hbm4b:s4+s2] =	stream.indirect_vreg.scatter [tilespmem:s19], [sflag:$0x1], $0x80, v11, vm0, $0xb8;
	[tilespmem:$0x10180] =	vst v63  }
0xa5: {  	_ = 	snop  }
0xa6: {  	[hbm4b:s5+s2] =	stream.indirect_vreg.scatter [tilespmem:s1], [sflag:$0x1], $0x80, v11, vm0, $0xb8;
	[tilespmem:$0x10180] =	vst v63  }
0xa7: {  	_ = 	snop  }
0xa8: {  	[hbm4b:s6+s2] =	stream.indirect_vreg.scatter [tilespmem:s10], [sflag:$0x1], $0x80, v11, vm0, $0xb8;
	[tilespmem:$0x10180] =	vst v63  }
0xa9: {  	v11 =	vld [tilespmem:$0x120];
	_ =	sdelay $0x4  }
0xaa: {  	v62 =	vshll.u32 v11, $0x3  }
0xab: {  	v11 =	vand.u32 $0x7, v11;
	v12 =	vand.u32 $0xFFFFFFC0, v62  }
0xac: {  	v11 =	vor.u32 v11, v12  }
0xad: {  	v12 =	vperm.xlane v11, v8;
	_ =	sdelay $0x1  }
0xae: {  	v12 =	vadd.s32 v9, v12;
	_ =	sdelay $0x4  }
0xaf: {  	[hbm4b:s3+s2] =	stream.indirect_vreg.scatter [tilespmem:s11], [sflag:$0x1], $0x80, v12, vm0, $0xb8;
	[tilespmem:$0x10180] =	vst v63  }
0xb0: {  	v11 =	vperm.xlane v11, v10  }
0xb1: {  	[hbm4b:s4+s2] =	stream.indirect_vreg.scatter [tilespmem:s12], [sflag:$0x1], $0x80, v12, vm0, $0xb8;
	[tilespmem:$0x10180] =	vst v63  }
0xb2: {  	v11 =	vadd.s32 v9, v11  }
0xb3: {  	[hbm4b:s5+s2] =	stream.indirect_vreg.scatter [tilespmem:s13], [sflag:$0x1], $0x80, v12, vm0, $0xb8;
	[tilespmem:$0x10180] =	vst v63  }
0xb4: {  	_ = 	snop  }
0xb5: {  	[hbm4b:s6+s2] =	stream.indirect_vreg.scatter [tilespmem:s14], [sflag:$0x1], $0x80, v12, vm0, $0xb8;
	[tilespmem:$0x10180] =	vst v63  }
0xb6: {  	_ = 	snop  }
0xb7: {  	[hbm4b:s3+s2] =	stream.indirect_vreg.scatter [tilespmem:s15], [sflag:$0x1], $0x80, v11, vm0, $0xb8;
	[tilespmem:$0x10180] =	vst v63  }
0xb8: {  	_ = 	snop  }
0xb9: {  	[hbm4b:s4+s2] =	stream.indirect_vreg.scatter [tilespmem:s16], [sflag:$0x1], $0x80, v11, vm0, $0xb8;
	[tilespmem:$0x10180] =	vst v63  }
0xba: {  	_ = 	snop  }
0xbb: {  	[hbm4b:s5+s2] =	stream.indirect_vreg.scatter [tilespmem:s17], [sflag:$0x1], $0x80, v11, vm0, $0xb8;
	[tilespmem:$0x10180] =	vst v63  }
0xbc: {  	_ = 	snop  }
0xbd: {  	[hbm4b:s6+s2] =	stream.indirect_vreg.scatter [tilespmem:s9], [sflag:$0x1], $0x80, v11, vm0, $0xb8;
	[tilespmem:$0x10180] =	vst v63  }
0xbe: {  	v11 =	vld [tilespmem:$0x130];
	_ =	sdelay $0x4  }
0xbf: {  	v63 =	vshll.u32 v11, $0x3  }
0xc0: {  	v11 =	vand.u32 $0x7, v11;
	v12 =	vand.u32 $0xFFFFFFC0, v63  }
0xc1: {  	v11 =	vor.u32 v11, v12  }
0xc2: {  	v12 =	vperm.xlane v11, v8;
	_ =	sdelay $0x1  }
0xc3: {  	v12 =	vadd.s32 v9, v12;
	_ =	sdelay $0x4  }
0xc4: {  	[hbm4b:s3+s2] =	stream.indirect_vreg.scatter [tilespmem:s18], [sflag:$0x1], $0x80, v12, vm0, $0xb8;
	[tilespmem:$0x10180] =	vst v63  }
0xc5: {  	s19 =	simm.s32 $0xC980;
	v11 =	vperm.xlane v11, v10  }
0xc6: {  	[hbm4b:s4+s2] =	stream.indirect_vreg.scatter [tilespmem:s19], [sflag:$0x1], $0x80, v12, vm0, $0xb8;
	[tilespmem:$0x10180] =	vst v63  }
0xc7: {  	v11 =	vadd.s32 v9, v11;
	s19 =	simm.s32 $0xD180  }
0xc8: {  	[hbm4b:s5+s2] =	stream.indirect_vreg.scatter [tilespmem:s19], [sflag:$0x1], $0x80, v12, vm0, $0xb8;
	[tilespmem:$0x10180] =	vst v63  }
0xc9: {  	s19 =	simm.s32 $0xD980  }
0xca: {  	[hbm4b:s6+s2] =	stream.indirect_vreg.scatter [tilespmem:s19], [sflag:$0x1], $0x80, v12, vm0, $0xb8;
	[tilespmem:$0x10180] =	vst v63  }
0xcb: {  	s19 =	simm.s32 $0xE180  }
0xcc: {  	[hbm4b:s3+s2] =	stream.indirect_vreg.scatter [tilespmem:s19], [sflag:$0x1], $0x80, v11, vm0, $0xb8;
	[tilespmem:$0x10180] =	vst v63  }
0xcd: {  	s19 =	simm.s32 $0xE980  }
0xce: {  	[hbm4b:s4+s2] =	stream.indirect_vreg.scatter [tilespmem:s19], [sflag:$0x1], $0x80, v11, vm0, $0xb8;
	[tilespmem:$0x10180] =	vst v63  }
0xcf: {  	s19 =	simm.s32 $0xF180  }
0xd0: {  	[hbm4b:s5+s2] =	stream.indirect_vreg.scatter [tilespmem:s19], [sflag:$0x1], $0x80, v11, vm0, $0xb8;
	[tilespmem:$0x10180] =	vst v63  }
0xd1: {  	s19 =	simm.s32 $0xF980  }
0xd2: {  	[hbm4b:s6+s2] =	stream.indirect_vreg.scatter [tilespmem:s19], [sflag:$0x1], $0x80, v11, vm0, $0xb8;
	[tilespmem:$0x10180] =	vst v63  }
0xd3: {  	s19 =	simm.s32 $0x1  }
0xd4: {  	p0 =	sne.s32 s7, $0x1;
	_ =	swait.ge [sflag:s19], $0x10000  }
.Ltmp0:
0xd5: {  	[sflag:s19] =	ssyncset.done $0x0;
	(pc) =	sbr.rel @p0 .LBB2_1-.Ltmp0, $4  }
0xd6: {  	[sflag:s19] =	ssyncadd.s32 $0xFFFF0000  }
0xd7: {  	_ =	swait.ge [sflag:s19], $0x10000  }
0xd8: {  	[sflag:s19] =	ssyncset.done $0x0  }
0xd9: {  	s7 =	sadd.s32 $0xFFFFFFFF, s7;
	[sflag:s19] =	ssyncadd.s32 $0xFFFF0000  }
0xda: {  	_ =	sfence.sel $0x180000  }
0xdb: {  	[bflag:$0x0] =	sbarrier.arrive $0xFFFF  }
0xdc: {  	_ =	strace $0x90000047  }
0xdd: {  	s0 =	stileid.u32;
	[bflag:$0x2] =	sbarrier.arrive $0xFFFF  }
0xde: {  	p0 =	sne.s32 s0, $0x0;
	s0 =	rddreg [dreg:$0x3]  }
0xdf: {  	s0 =	sadd.s32 @!p0 $0x100000, s0  }
0xe0: {  	[sflag:s0] =	ssyncadd.tile.s32 @!p0 $0x1;
	_ =	shalt  }
.Lfunc_end2:
_tile_overlayer_lowered:
.L_overlay_start_2:
0xe1: {  	(tag) =	ssettag $0x2  }
0xe2: {  	s0 =	rddreg [dreg:$0x0];
	s2 =	stileid.u32  }
0xe3: {  	s1 =	rddreg [dreg:$0x1];
	p0 =	sne.s32 s2, $0x0  }
0xe4: {  	s3 =	rddreg [dreg:$0x2];
	[bflag:$0x3] =	sbarrier.arrive $0xFFFF;
	s2 =	simm.s32 @!p0 $0x1C02  }
0xe5: {  	[timem:s3], [sflag:s2] =	dma.local @!p0 [hbm:s0], s1  }
0xe6: {  	s0 =	simm.s32 @!p0 $0x2  }
0xe7: {  	_ =	swait.ge @!p0 [sflag:s0], s1  }
0xe8: {  	s1 =	ssub.s32 @!p0 $0x0, s1;
	[sflag:s0] =	ssyncset.done @!p0 $0x0  }
0xe9: {  	[sflag:s0] =	ssyncadd.s32 @!p0 s1  }
0xea: {  	[bflag:$0x3] =	sbarrier.arrive $0xFFFF  }
0xeb: {  	_ =	shalt  }

</sc_bundles>
